<compile_context>
chip_gen: v7x
topology: tpu7x:2x2x1
jax: 0.10.2.dev20260603
libtpu: 0.0.44.dev20260713+nightly
codegen_flags: <defaults>
</compile_context>

<pallas_src>
import functools

import jax
import jax.numpy as jnp
from jax import lax
from jax.experimental import pallas as pl
from jax.experimental.pallas import tpu as pltpu
from jax.experimental.pallas import tpu_sc as plsc

NC = 2
NS = 16
NW = NC * NS
IW = 128
NCH = 2
NBUF = 5


def _build(V, D, R):
  rows_per_w = R // NW
  n_steps = rows_per_w // NCH
  assert n_steps % NBUF == 0 and n_steps >= 2 * NBUF
  mesh = plsc.VectorSubcoreMesh(core_axis_name="c", subcore_axis_name="s")

  @functools.partial(
      pl.kernel,
      out_type=jax.ShapeDtypeStruct((R, IW, D), jnp.float32),
      mesh=mesh,
      compiler_params=pltpu.CompilerParams(use_tc_tiling_on_sc=False),
      scratch_types=[
          pltpu.VMEM((rows_per_w, IW), jnp.int32),
          pltpu.VMEM((NBUF, NCH, IW, D), jnp.float32),
          [pltpu.SemaphoreType.DMA] * NBUF,
          [pltpu.SemaphoreType.DMA] * NBUF,
      ],
  )
  def gather_kernel(x_hbm, tab_hbm, out_hbm, idx_v, rows_v, gsems, ssems):
    wid = lax.axis_index("s") * NC + lax.axis_index("c")
    base = wid * rows_per_w
    pltpu.sync_copy(x_hbm.at[pl.ds(base, rows_per_w)], idx_v)

    def issue_gathers(i, b):
      for j in range(NCH):
        pltpu.async_copy(
            tab_hbm.at[idx_v.at[i * NCH + j]], rows_v.at[b, j], gsems[b])

    def wait_gathers(i, b):
      for j in range(NCH):
        pltpu.make_async_copy(
            tab_hbm.at[idx_v.at[i * NCH + j]], rows_v.at[b, j],
            gsems[b]).wait()

    def store(i, b):
      return pltpu.make_async_copy(
          rows_v.at[b], out_hbm.at[pl.ds(base + i * NCH, NCH)], ssems[b])

    for k in range(NBUF - 1):
      issue_gathers(k, k)

    def group(g, carry):
      for k in range(NBUF):
        i = g * NBUF + k
        bb = (k - 1) % NBUF

        @pl.when(i > 0)
        def _():
          store(i - 1, bb).wait()

        @pl.when(i + NBUF - 1 < n_steps)
        def _():
          issue_gathers(i + NBUF - 1, bb)

        wait_gathers(i, k)
        store(i, k).start()
      return carry

    lax.fori_loop(0, n_steps // NBUF, group, 0)
    store(n_steps - 1, NBUF - 1).wait()

  return gather_kernel


def kernel(x, table):
  B, H = x.shape
  V, D = table.shape
  n = B * H
  assert n % (NW * NCH * IW) == 0
  R = n // IW
  xf = x.reshape(R, IW).astype(jnp.int32)
  out = _build(V, D, R)(xf, table)
  return out.reshape(B, H, D)

# --- scband reference (transcript-rebuilt; emitter-appended) ---
"""Pipeline reference for scband-token-embedding-18107582120215 (READ-ONLY COPY).

The authoritative reference and input builder live on the scoring server;
editing this copy changes nothing except your own understanding.
"""

import jax, jax.numpy as jnp
import numpy as np

VOCAB = 1000000
D_MODEL = 64
BATCH = 16384
HIST = 50

def setup_inputs(seed: int = 0) -> dict:
    key = jax.random.key(seed)
    k_idx, k_tab = jax.random.split(key)
    x = jax.random.randint(k_idx, (BATCH, HIST), 0, VOCAB, dtype=jnp.int64 if jax.config.jax_enable_x64 else jnp.int32)
    table = jax.random.normal(k_tab, (VOCAB, D_MODEL), dtype=jnp.float32)
    return {"x": x, "table": table}

def reference(x, table):
    # nn.Embedding forward: gather rows of the embedding table
    out = jnp.take(table, x, axis=0)
    return out

if __name__ == "__main__":
    import jax
    _d = setup_inputs()
    print(jax.jit(kernel)(*tuple(_d.values())))

</pallas_src>

<mosaic_0001>
#map = affine_map<(d0, d1) -> (0, 0)>
#map1 = affine_map<(d0, d1) -> (0, 0, 0)>
module attributes {stable_mosaic.version = 14 : i64} {
  func.func @gather_kernel(%arg0: i32, %arg1: i32, %arg2: memref<6400x128xi32, #tpu.memory_space<hbm>>, %arg3: memref<1000000x64xf32, #tpu.memory_space<hbm>>, %arg4: memref<6400x128x64xf32, #tpu.memory_space<hbm>>, %arg5: memref<200x128xi32, #tpu.memory_space<vmem>>, %arg6: memref<5x2x128x64xf32, #tpu.memory_space<vmem>>, %arg7: memref<!tpu.dma_semaphore, #tpu.memory_space<semaphore_mem>>, %arg8: memref<!tpu.dma_semaphore, #tpu.memory_space<semaphore_mem>>, %arg9: memref<!tpu.dma_semaphore, #tpu.memory_space<semaphore_mem>>, %arg10: memref<!tpu.dma_semaphore, #tpu.memory_space<semaphore_mem>>, %arg11: memref<!tpu.dma_semaphore, #tpu.memory_space<semaphore_mem>>, %arg12: memref<!tpu.dma_semaphore, #tpu.memory_space<semaphore_mem>>, %arg13: memref<!tpu.dma_semaphore, #tpu.memory_space<semaphore_mem>>, %arg14: memref<!tpu.dma_semaphore, #tpu.memory_space<semaphore_mem>>, %arg15: memref<!tpu.dma_semaphore, #tpu.memory_space<semaphore_mem>>, %arg16: memref<!tpu.dma_semaphore, #tpu.memory_space<semaphore_mem>>) attributes {dimension_semantics = [#tpu.dimension_semantics<core_parallel>, #tpu.dimension_semantics<subcore_parallel>], iteration_bounds = array<i64: 2, 16>, scalar_prefetch = 0 : i64, scratch_operands = 12 : i64, tpu.core_type = #tpu.core_type<sc_vector_subcore>, window_params = [{transform_indices = #map}, {transform_indices = #map}, {transform_indices = #map1}]} {
    %mul3A = arith.constant 2 : i32
    %mul3A_0 = arith.muli %arg1, %mul3A : i32
    %add3A = arith.addi %mul3A_0, %arg0 : i32
    %mul3A_1 = arith.constant 200 : i32
    %mul3A_2 = arith.muli %add3A, %mul3A_1 : i32
    "tpu.region"() ({
      %run_scoped3A = tpu.sem_alloc : memref<!tpu.dma_semaphore, #tpu.memory_space<semaphore_mem>>
      %dma_start3A_129 = arith.constant 0 : i32
      %dma_start3A_130 = tpu.memref_slice %arg2[%mul3A_2, %dma_start3A_129] : memref<6400x128xi32, #tpu.memory_space<hbm>> -> memref<200x128xi32, #tpu.memory_space<hbm>>
      %dma_start3A_131 = arith.constant 0 : i32
      %dma_start3A_132 = tpu.memref_slice %arg2[%mul3A_2, %dma_start3A_131] : memref<6400x128xi32, #tpu.memory_space<hbm>> -> memref<200x128xi32, #tpu.memory_space<hbm>>
      tpu.enqueue_dma source(%dma_start3A_132 : memref<200x128xi32, #tpu.memory_space<hbm>>) target(%arg5 : memref<200x128xi32, #tpu.memory_space<vmem>>) target_semaphore(%run_scoped3A : memref<!tpu.dma_semaphore, #tpu.memory_space<semaphore_mem>>)
      %dma_wait3A_133 = arith.constant 0 : i32
      %dma_wait3A_134 = tpu.memref_slice %arg2[%mul3A_2, %dma_wait3A_133] : memref<6400x128xi32, #tpu.memory_space<hbm>> -> memref<200x128xi32, #tpu.memory_space<hbm>>
      %dma_wait3A_135 = arith.constant 0 : i32
      %dma_wait3A_136 = tpu.memref_slice %arg2[%mul3A_2, %dma_wait3A_135] : memref<6400x128xi32, #tpu.memory_space<hbm>> -> memref<200x128xi32, #tpu.memory_space<hbm>>
      tpu.wait_dma2 semaphore(%run_scoped3A : memref<!tpu.dma_semaphore, #tpu.memory_space<semaphore_mem>>) src(%dma_wait3A_136 : memref<200x128xi32, #tpu.memory_space<hbm>>) dst(%arg5 : memref<200x128xi32, #tpu.memory_space<vmem>>)
      tpu.yield
    }) : () -> ()
    %dma_start3A = arith.constant 0 : i32
    %dma_start3A_3 = arith.constant 0 : i32
    %dma_start3A_4 = arith.constant 0 : i32
    %dma_start3A_5 = arith.constant 0 : i32
    %dma_start3A_6 = arith.constant 0 : i32
    %dma_start3A_7 = tpu.memref_slice %arg6[%dma_start3A_3, %dma_start3A_4, %dma_start3A_5, %dma_start3A_6] : memref<5x2x128x64xf32, #tpu.memory_space<vmem>> -> memref<1x1x128x64xf32, #tpu.memory_space<vmem>>
    %dma_start3A_8 = tpu.memref_squeeze %dma_start3A_7 : memref<1x1x128x64xf32, #tpu.memory_space<vmem>> -> memref<128x64xf32, #tpu.memory_space<vmem>>
    %dma_start3A_9 = arith.constant 0 : i32
    %dma_start3A_10 = tpu.memref_slice %arg5[%dma_start3A, %dma_start3A_9] : memref<200x128xi32, #tpu.memory_space<vmem>> -> memref<1x128xi32, #tpu.memory_space<vmem>>
    %dma_start3A_11 = tpu.memref_squeeze %dma_start3A_10 : memref<1x128xi32, #tpu.memory_space<vmem>> -> memref<128xi32, #tpu.memory_space<vmem>>
    %dma_start3A_12 = arith.constant 0 : i32
    %dma_start3A_13 = arith.constant 0 : i32
    %dma_start3A_14 = tpu.memref_slice %arg3[%dma_start3A_12, %dma_start3A_13] : memref<1000000x64xf32, #tpu.memory_space<hbm>> -> memref<1000000x64xf32, #tpu.memory_space<hbm>>
    tpu.enqueue_indirect_dma source(%dma_start3A_14 : memref<1000000x64xf32, #tpu.memory_space<hbm>>) target(%dma_start3A_8 : memref<128x64xf32, #tpu.memory_space<vmem>>) offsets(%dma_start3A_11 : memref<128xi32, #tpu.memory_space<vmem>>) semaphore(%arg7 : memref<!tpu.dma_semaphore, #tpu.memory_space<semaphore_mem>>)
    %dma_start3A_15 = arith.constant 1 : i32
    %dma_start3A_16 = arith.constant 0 : i32
    %dma_start3A_17 = arith.constant 1 : i32
    %dma_start3A_18 = arith.constant 0 : i32
    %dma_start3A_19 = arith.constant 0 : i32
    %dma_start3A_20 = tpu.memref_slice %arg6[%dma_start3A_16, %dma_start3A_17, %dma_start3A_18, %dma_start3A_19] : memref<5x2x128x64xf32, #tpu.memory_space<vmem>> -> memref<1x1x128x64xf32, #tpu.memory_space<vmem>>
    %dma_start3A_21 = tpu.memref_squeeze %dma_start3A_20 : memref<1x1x128x64xf32, #tpu.memory_space<vmem>> -> memref<128x64xf32, #tpu.memory_space<vmem>>
    %dma_start3A_22 = arith.constant 0 : i32
    %dma_start3A_23 = tpu.memref_slice %arg5[%dma_start3A_15, %dma_start3A_22] : memref<200x128xi32, #tpu.memory_space<vmem>> -> memref<1x128xi32, #tpu.memory_space<vmem>>
    %dma_start3A_24 = tpu.memref_squeeze %dma_start3A_23 : memref<1x128xi32, #tpu.memory_space<vmem>> -> memref<128xi32, #tpu.memory_space<vmem>>
    %dma_start3A_25 = arith.constant 0 : i32
    %dma_start3A_26 = arith.constant 0 : i32
    %dma_start3A_27 = tpu.memref_slice %arg3[%dma_start3A_25, %dma_start3A_26] : memref<1000000x64xf32, #tpu.memory_space<hbm>> -> memref<1000000x64xf32, #tpu.memory_space<hbm>>
    tpu.enqueue_indirect_dma source(%dma_start3A_27 : memref<1000000x64xf32, #tpu.memory_space<hbm>>) target(%dma_start3A_21 : memref<128x64xf32, #tpu.memory_space<vmem>>) offsets(%dma_start3A_24 : memref<128xi32, #tpu.memory_space<vmem>>) semaphore(%arg7 : memref<!tpu.dma_semaphore, #tpu.memory_space<semaphore_mem>>)
    %dma_start3A_28 = arith.constant 2 : i32
    %dma_start3A_29 = arith.constant 1 : i32
    %dma_start3A_30 = arith.constant 0 : i32
    %dma_start3A_31 = arith.constant 0 : i32
    %dma_start3A_32 = arith.constant 0 : i32
    %dma_start3A_33 = tpu.memref_slice %arg6[%dma_start3A_29, %dma_start3A_30, %dma_start3A_31, %dma_start3A_32] : memref<5x2x128x64xf32, #tpu.memory_space<vmem>> -> memref<1x1x128x64xf32, #tpu.memory_space<vmem>>
    %dma_start3A_34 = tpu.memref_squeeze %dma_start3A_33 : memref<1x1x128x64xf32, #tpu.memory_space<vmem>> -> memref<128x64xf32, #tpu.memory_space<vmem>>
    %dma_start3A_35 = arith.constant 0 : i32
    %dma_start3A_36 = tpu.memref_slice %arg5[%dma_start3A_28, %dma_start3A_35] : memref<200x128xi32, #tpu.memory_space<vmem>> -> memref<1x128xi32, #tpu.memory_space<vmem>>
    %dma_start3A_37 = tpu.memref_squeeze %dma_start3A_36 : memref<1x128xi32, #tpu.memory_space<vmem>> -> memref<128xi32, #tpu.memory_space<vmem>>
    %dma_start3A_38 = arith.constant 0 : i32
    %dma_start3A_39 = arith.constant 0 : i32
    %dma_start3A_40 = tpu.memref_slice %arg3[%dma_start3A_38, %dma_start3A_39] : memref<1000000x64xf32, #tpu.memory_space<hbm>> -> memref<1000000x64xf32, #tpu.memory_space<hbm>>
    tpu.enqueue_indirect_dma source(%dma_start3A_40 : memref<1000000x64xf32, #tpu.memory_space<hbm>>) target(%dma_start3A_34 : memref<128x64xf32, #tpu.memory_space<vmem>>) offsets(%dma_start3A_37 : memref<128xi32, #tpu.memory_space<vmem>>) semaphore(%arg8 : memref<!tpu.dma_semaphore, #tpu.memory_space<semaphore_mem>>)
    %dma_start3A_41 = arith.constant 3 : i32
    %dma_start3A_42 = arith.constant 1 : i32
    %dma_start3A_43 = arith.constant 1 : i32
    %dma_start3A_44 = arith.constant 0 : i32
    %dma_start3A_45 = arith.constant 0 : i32
    %dma_start3A_46 = tpu.memref_slice %arg6[%dma_start3A_42, %dma_start3A_43, %dma_start3A_44, %dma_start3A_45] : memref<5x2x128x64xf32, #tpu.memory_space<vmem>> -> memref<1x1x128x64xf32, #tpu.memory_space<vmem>>
    %dma_start3A_47 = tpu.memref_squeeze %dma_start3A_46 : memref<1x1x128x64xf32, #tpu.memory_space<vmem>> -> memref<128x64xf32, #tpu.memory_space<vmem>>
    %dma_start3A_48 = arith.constant 0 : i32
    %dma_start3A_49 = tpu.memref_slice %arg5[%dma_start3A_41, %dma_start3A_48] : memref<200x128xi32, #tpu.memory_space<vmem>> -> memref<1x128xi32, #tpu.memory_space<vmem>>
    %dma_start3A_50 = tpu.memref_squeeze %dma_start3A_49 : memref<1x128xi32, #tpu.memory_space<vmem>> -> memref<128xi32, #tpu.memory_space<vmem>>
    %dma_start3A_51 = arith.constant 0 : i32
    %dma_start3A_52 = arith.constant 0 : i32
    %dma_start3A_53 = tpu.memref_slice %arg3[%dma_start3A_51, %dma_start3A_52] : memref<1000000x64xf32, #tpu.memory_space<hbm>> -> memref<1000000x64xf32, #tpu.memory_space<hbm>>
    tpu.enqueue_indirect_dma source(%dma_start3A_53 : memref<1000000x64xf32, #tpu.memory_space<hbm>>) target(%dma_start3A_47 : memref<128x64xf32, #tpu.memory_space<vmem>>) offsets(%dma_start3A_50 : memref<128xi32, #tpu.memory_space<vmem>>) semaphore(%arg8 : memref<!tpu.dma_semaphore, #tpu.memory_space<semaphore_mem>>)
    %dma_start3A_54 = arith.constant 4 : i32
    %dma_start3A_55 = arith.constant 2 : i32
    %dma_start3A_56 = arith.constant 0 : i32
    %dma_start3A_57 = arith.constant 0 : i32
    %dma_start3A_58 = arith.constant 0 : i32
    %dma_start3A_59 = tpu.memref_slice %arg6[%dma_start3A_55, %dma_start3A_56, %dma_start3A_57, %dma_start3A_58] : memref<5x2x128x64xf32, #tpu.memory_space<vmem>> -> memref<1x1x128x64xf32, #tpu.memory_space<vmem>>
    %dma_start3A_60 = tpu.memref_squeeze %dma_start3A_59 : memref<1x1x128x64xf32, #tpu.memory_space<vmem>> -> memref<128x64xf32, #tpu.memory_space<vmem>>
    %dma_start3A_61 = arith.constant 0 : i32
    %dma_start3A_62 = tpu.memref_slice %arg5[%dma_start3A_54, %dma_start3A_61] : memref<200x128xi32, #tpu.memory_space<vmem>> -> memref<1x128xi32, #tpu.memory_space<vmem>>
    %dma_start3A_63 = tpu.memref_squeeze %dma_start3A_62 : memref<1x128xi32, #tpu.memory_space<vmem>> -> memref<128xi32, #tpu.memory_space<vmem>>
    %dma_start3A_64 = arith.constant 0 : i32
    %dma_start3A_65 = arith.constant 0 : i32
    %dma_start3A_66 = tpu.memref_slice %arg3[%dma_start3A_64, %dma_start3A_65] : memref<1000000x64xf32, #tpu.memory_space<hbm>> -> memref<1000000x64xf32, #tpu.memory_space<hbm>>
    tpu.enqueue_indirect_dma source(%dma_start3A_66 : memref<1000000x64xf32, #tpu.memory_space<hbm>>) target(%dma_start3A_60 : memref<128x64xf32, #tpu.memory_space<vmem>>) offsets(%dma_start3A_63 : memref<128xi32, #tpu.memory_space<vmem>>) semaphore(%arg9 : memref<!tpu.dma_semaphore, #tpu.memory_space<semaphore_mem>>)
    %dma_start3A_67 = arith.constant 5 : i32
    %dma_start3A_68 = arith.constant 2 : i32
    %dma_start3A_69 = arith.constant 1 : i32
    %dma_start3A_70 = arith.constant 0 : i32
    %dma_start3A_71 = arith.constant 0 : i32
    %dma_start3A_72 = tpu.memref_slice %arg6[%dma_start3A_68, %dma_start3A_69, %dma_start3A_70, %dma_start3A_71] : memref<5x2x128x64xf32, #tpu.memory_space<vmem>> -> memref<1x1x128x64xf32, #tpu.memory_space<vmem>>
    %dma_start3A_73 = tpu.memref_squeeze %dma_start3A_72 : memref<1x1x128x64xf32, #tpu.memory_space<vmem>> -> memref<128x64xf32, #tpu.memory_space<vmem>>
    %dma_start3A_74 = arith.constant 0 : i32
    %dma_start3A_75 = tpu.memref_slice %arg5[%dma_start3A_67, %dma_start3A_74] : memref<200x128xi32, #tpu.memory_space<vmem>> -> memref<1x128xi32, #tpu.memory_space<vmem>>
    %dma_start3A_76 = tpu.memref_squeeze %dma_start3A_75 : memref<1x128xi32, #tpu.memory_space<vmem>> -> memref<128xi32, #tpu.memory_space<vmem>>
    %dma_start3A_77 = arith.constant 0 : i32
    %dma_start3A_78 = arith.constant 0 : i32
    %dma_start3A_79 = tpu.memref_slice %arg3[%dma_start3A_77, %dma_start3A_78] : memref<1000000x64xf32, #tpu.memory_space<hbm>> -> memref<1000000x64xf32, #tpu.memory_space<hbm>>
    tpu.enqueue_indirect_dma source(%dma_start3A_79 : memref<1000000x64xf32, #tpu.memory_space<hbm>>) target(%dma_start3A_73 : memref<128x64xf32, #tpu.memory_space<vmem>>) offsets(%dma_start3A_76 : memref<128xi32, #tpu.memory_space<vmem>>) semaphore(%arg9 : memref<!tpu.dma_semaphore, #tpu.memory_space<semaphore_mem>>)
    %dma_start3A_80 = arith.constant 6 : i32
    %dma_start3A_81 = arith.constant 3 : i32
    %dma_start3A_82 = arith.constant 0 : i32
    %dma_start3A_83 = arith.constant 0 : i32
    %dma_start3A_84 = arith.constant 0 : i32
    %dma_start3A_85 = tpu.memref_slice %arg6[%dma_start3A_81, %dma_start3A_82, %dma_start3A_83, %dma_start3A_84] : memref<5x2x128x64xf32, #tpu.memory_space<vmem>> -> memref<1x1x128x64xf32, #tpu.memory_space<vmem>>
    %dma_start3A_86 = tpu.memref_squeeze %dma_start3A_85 : memref<1x1x128x64xf32, #tpu.memory_space<vmem>> -> memref<128x64xf32, #tpu.memory_space<vmem>>
    %dma_start3A_87 = arith.constant 0 : i32
    %dma_start3A_88 = tpu.memref_slice %arg5[%dma_start3A_80, %dma_start3A_87] : memref<200x128xi32, #tpu.memory_space<vmem>> -> memref<1x128xi32, #tpu.memory_space<vmem>>
    %dma_start3A_89 = tpu.memref_squeeze %dma_start3A_88 : memref<1x128xi32, #tpu.memory_space<vmem>> -> memref<128xi32, #tpu.memory_space<vmem>>
    %dma_start3A_90 = arith.constant 0 : i32
    %dma_start3A_91 = arith.constant 0 : i32
    %dma_start3A_92 = tpu.memref_slice %arg3[%dma_start3A_90, %dma_start3A_91] : memref<1000000x64xf32, #tpu.memory_space<hbm>> -> memref<1000000x64xf32, #tpu.memory_space<hbm>>
    tpu.enqueue_indirect_dma source(%dma_start3A_92 : memref<1000000x64xf32, #tpu.memory_space<hbm>>) target(%dma_start3A_86 : memref<128x64xf32, #tpu.memory_space<vmem>>) offsets(%dma_start3A_89 : memref<128xi32, #tpu.memory_space<vmem>>) semaphore(%arg10 : memref<!tpu.dma_semaphore, #tpu.memory_space<semaphore_mem>>)
    %dma_start3A_93 = arith.constant 7 : i32
    %dma_start3A_94 = arith.constant 3 : i32
    %dma_start3A_95 = arith.constant 1 : i32
    %dma_start3A_96 = arith.constant 0 : i32
    %dma_start3A_97 = arith.constant 0 : i32
    %dma_start3A_98 = tpu.memref_slice %arg6[%dma_start3A_94, %dma_start3A_95, %dma_start3A_96, %dma_start3A_97] : memref<5x2x128x64xf32, #tpu.memory_space<vmem>> -> memref<1x1x128x64xf32, #tpu.memory_space<vmem>>
    %dma_start3A_99 = tpu.memref_squeeze %dma_start3A_98 : memref<1x1x128x64xf32, #tpu.memory_space<vmem>> -> memref<128x64xf32, #tpu.memory_space<vmem>>
    %dma_start3A_100 = arith.constant 0 : i32
    %dma_start3A_101 = tpu.memref_slice %arg5[%dma_start3A_93, %dma_start3A_100] : memref<200x128xi32, #tpu.memory_space<vmem>> -> memref<1x128xi32, #tpu.memory_space<vmem>>
    %dma_start3A_102 = tpu.memref_squeeze %dma_start3A_101 : memref<1x128xi32, #tpu.memory_space<vmem>> -> memref<128xi32, #tpu.memory_space<vmem>>
    %dma_start3A_103 = arith.constant 0 : i32
    %dma_start3A_104 = arith.constant 0 : i32
    %dma_start3A_105 = tpu.memref_slice %arg3[%dma_start3A_103, %dma_start3A_104] : memref<1000000x64xf32, #tpu.memory_space<hbm>> -> memref<1000000x64xf32, #tpu.memory_space<hbm>>
    tpu.enqueue_indirect_dma source(%dma_start3A_105 : memref<1000000x64xf32, #tpu.memory_space<hbm>>) target(%dma_start3A_99 : memref<128x64xf32, #tpu.memory_space<vmem>>) offsets(%dma_start3A_102 : memref<128xi32, #tpu.memory_space<vmem>>) semaphore(%arg10 : memref<!tpu.dma_semaphore, #tpu.memory_space<semaphore_mem>>)
    %scan3A = arith.constant 0 : i32
    %scan3A_106 = arith.constant 0 : i32
    %scan3A_107 = arith.constant 20 : i32
    %scan3A_108 = arith.addi %scan3A_106, %scan3A_107 : i32
    %scan3A_109 = arith.constant 1 : i32
    scf.for %scan3A_129 = %scan3A_106 to %scan3A_108 step %scan3A_109  : i32 {
      %mul3A_130 = arith.constant 5 : i32
      %mul3A_131 = arith.muli %scan3A_129, %mul3A_130 : i32
      %add3A_132 = arith.constant 0 : i32
      %add3A_133 = arith.addi %mul3A_131, %add3A_132 : i32
      %gt3A = arith.constant 0 : i32
      %gt3A_134 = arith.cmpi sgt, %add3A_133, %gt3A : i32
      %convert_element_type3A = arith.extui %gt3A_134 : i1 to i32
      %cond3A = arith.constant 0 : i32
      %cond3A_135 = arith.cmpi ne, %convert_element_type3A, %cond3A : i32
      scf.if %cond3A_135 {
        %sub3A_475 = arith.constant 1 : i32
        %sub3A_476 = arith.subi %add3A_133, %sub3A_475 : i32
        %mul3A_477 = arith.constant 2 : i32
        %mul3A_478 = arith.muli %sub3A_476, %mul3A_477 : i32
        %add3A_479 = arith.addi %mul3A_2, %mul3A_478 : i32
        %dma_wait3A_480 = arith.constant 4 : i32
        %dma_wait3A_481 = arith.constant 0 : i32
        %dma_wait3A_482 = arith.constant 0 : i32
        %dma_wait3A_483 = arith.constant 0 : i32
        %dma_wait3A_484 = tpu.memref_slice %arg6[%dma_wait3A_480, %dma_wait3A_481, %dma_wait3A_482, %dma_wait3A_483] : memref<5x2x128x64xf32, #tpu.memory_space<vmem>> -> memref<1x2x128x64xf32, #tpu.memory_space<vmem>>
        %dma_wait3A_485 = tpu.memref_squeeze %dma_wait3A_484 : memref<1x2x128x64xf32, #tpu.memory_space<vmem>> -> memref<2x128x64xf32, #tpu.memory_space<vmem>>
        %dma_wait3A_486 = arith.constant 0 : i32
        %dma_wait3A_487 = arith.constant 0 : i32
        %dma_wait3A_488 = tpu.memref_slice %arg4[%add3A_479, %dma_wait3A_486, %dma_wait3A_487] : memref<6400x128x64xf32, #tpu.memory_space<hbm>> -> memref<2x128x64xf32, #tpu.memory_space<hbm>>
        %dma_wait3A_489 = arith.constant 0 : i32
        %dma_wait3A_490 = arith.constant 0 : i32
        %dma_wait3A_491 = tpu.memref_slice %arg4[%add3A_479, %dma_wait3A_489, %dma_wait3A_490] : memref<6400x128x64xf32, #tpu.memory_space<hbm>> -> memref<2x128x64xf32, #tpu.memory_space<hbm>>
        %dma_wait3A_492 = arith.constant 0 : i32
        %dma_wait3A_493 = arith.constant 0 : i32
        %dma_wait3A_494 = arith.constant 0 : i32
        %dma_wait3A_495 = tpu.memref_slice %arg6[%dma_wait3A_480, %dma_wait3A_492, %dma_wait3A_493, %dma_wait3A_494] : memref<5x2x128x64xf32, #tpu.memory_space<vmem>> -> memref<1x2x128x64xf32, #tpu.memory_space<vmem>>
        %dma_wait3A_496 = tpu.memref_squeeze %dma_wait3A_495 : memref<1x2x128x64xf32, #tpu.memory_space<vmem>> -> memref<2x128x64xf32, #tpu.memory_space<vmem>>
        tpu.wait_dma2 semaphore(%arg16 : memref<!tpu.dma_semaphore, #tpu.memory_space<semaphore_mem>>) src(%dma_wait3A_496 : memref<2x128x64xf32, #tpu.memory_space<vmem>>) dst(%dma_wait3A_491 : memref<2x128x64xf32, #tpu.memory_space<hbm>>)
      } else {
      }
      %add3A_136 = arith.constant 5 : i32
      %add3A_137 = arith.addi %add3A_133, %add3A_136 : i32
      %sub3A = arith.constant 1 : i32
      %sub3A_138 = arith.subi %add3A_137, %sub3A : i32
      %lt3A = arith.constant 100 : i32
      %lt3A_139 = arith.cmpi slt, %sub3A_138, %lt3A : i32
      %convert_element_type3A_140 = arith.extui %lt3A_139 : i1 to i32
      %cond3A_141 = arith.constant 0 : i32
      %cond3A_142 = arith.cmpi ne, %convert_element_type3A_140, %cond3A_141 : i32
      scf.if %cond3A_142 {
        %add3A_475 = arith.constant 5 : i32
        %add3A_476 = arith.addi %add3A_133, %add3A_475 : i32
        %sub3A_477 = arith.constant 1 : i32
        %sub3A_478 = arith.subi %add3A_476, %sub3A_477 : i32
        %mul3A_479 = arith.constant 2 : i32
        %mul3A_480 = arith.muli %sub3A_478, %mul3A_479 : i32
        %add3A_481 = arith.constant 0 : i32
        %add3A_482 = arith.addi %mul3A_480, %add3A_481 : i32
        %dma_start3A_483 = arith.constant 4 : i32
        %dma_start3A_484 = arith.constant 0 : i32
        %dma_start3A_485 = arith.constant 0 : i32
        %dma_start3A_486 = arith.constant 0 : i32
        %dma_start3A_487 = tpu.memref_slice %arg6[%dma_start3A_483, %dma_start3A_484, %dma_start3A_485, %dma_start3A_486] : memref<5x2x128x64xf32, #tpu.memory_space<vmem>> -> memref<1x1x128x64xf32, #tpu.memory_space<vmem>>
        %dma_start3A_488 = tpu.memref_squeeze %dma_start3A_487 : memref<1x1x128x64xf32, #tpu.memory_space<vmem>> -> memref<128x64xf32, #tpu.memory_space<vmem>>
        %dma_start3A_489 = arith.constant 0 : i32
        %dma_start3A_490 = tpu.memref_slice %arg5[%add3A_482, %dma_start3A_489] : memref<200x128xi32, #tpu.memory_space<vmem>> -> memref<1x128xi32, #tpu.memory_space<vmem>>
        %dma_start3A_491 = tpu.memref_squeeze %dma_start3A_490 : memref<1x128xi32, #tpu.memory_space<vmem>> -> memref<128xi32, #tpu.memory_space<vmem>>
        %dma_start3A_492 = arith.constant 0 : i32
        %dma_start3A_493 = arith.constant 0 : i32
        %dma_start3A_494 = tpu.memref_slice %arg3[%dma_start3A_492, %dma_start3A_493] : memref<1000000x64xf32, #tpu.memory_space<hbm>> -> memref<1000000x64xf32, #tpu.memory_space<hbm>>
        tpu.enqueue_indirect_dma source(%dma_start3A_494 : memref<1000000x64xf32, #tpu.memory_space<hbm>>) target(%dma_start3A_488 : memref<128x64xf32, #tpu.memory_space<vmem>>) offsets(%dma_start3A_491 : memref<128xi32, #tpu.memory_space<vmem>>) semaphore(%arg11 : memref<!tpu.dma_semaphore, #tpu.memory_space<semaphore_mem>>)
        %mul3A_495 = arith.constant 2 : i32
        %mul3A_496 = arith.muli %sub3A_478, %mul3A_495 : i32
        %add3A_497 = arith.constant 1 : i32
        %add3A_498 = arith.addi %mul3A_496, %add3A_497 : i32
        %dma_start3A_499 = arith.constant 4 : i32
        %dma_start3A_500 = arith.constant 1 : i32
        %dma_start3A_501 = arith.constant 0 : i32
        %dma_start3A_502 = arith.constant 0 : i32
        %dma_start3A_503 = tpu.memref_slice %arg6[%dma_start3A_499, %dma_start3A_500, %dma_start3A_501, %dma_start3A_502] : memref<5x2x128x64xf32, #tpu.memory_space<vmem>> -> memref<1x1x128x64xf32, #tpu.memory_space<vmem>>
        %dma_start3A_504 = tpu.memref_squeeze %dma_start3A_503 : memref<1x1x128x64xf32, #tpu.memory_space<vmem>> -> memref<128x64xf32, #tpu.memory_space<vmem>>
        %dma_start3A_505 = arith.constant 0 : i32
        %dma_start3A_506 = tpu.memref_slice %arg5[%add3A_498, %dma_start3A_505] : memref<200x128xi32, #tpu.memory_space<vmem>> -> memref<1x128xi32, #tpu.memory_space<vmem>>
        %dma_start3A_507 = tpu.memref_squeeze %dma_start3A_506 : memref<1x128xi32, #tpu.memory_space<vmem>> -> memref<128xi32, #tpu.memory_space<vmem>>
        %dma_start3A_508 = arith.constant 0 : i32
        %dma_start3A_509 = arith.constant 0 : i32
        %dma_start3A_510 = tpu.memref_slice %arg3[%dma_start3A_508, %dma_start3A_509] : memref<1000000x64xf32, #tpu.memory_space<hbm>> -> memref<1000000x64xf32, #tpu.memory_space<hbm>>
        tpu.enqueue_indirect_dma source(%dma_start3A_510 : memref<1000000x64xf32, #tpu.memory_space<hbm>>) target(%dma_start3A_504 : memref<128x64xf32, #tpu.memory_space<vmem>>) offsets(%dma_start3A_507 : memref<128xi32, #tpu.memory_space<vmem>>) semaphore(%arg11 : memref<!tpu.dma_semaphore, #tpu.memory_space<semaphore_mem>>)
      } else {
      }
      %mul3A_143 = arith.constant 2 : i32
      %mul3A_144 = arith.muli %add3A_133, %mul3A_143 : i32
      %add3A_145 = arith.constant 0 : i32
      %add3A_146 = arith.addi %mul3A_144, %add3A_145 : i32
      %dma_wait3A_147 = arith.constant 0 : i32
      %dma_wait3A_148 = arith.constant 0 : i32
      %dma_wait3A_149 = arith.constant 0 : i32
      %dma_wait3A_150 = arith.constant 0 : i32
      %dma_wait3A_151 = tpu.memref_slice %arg6[%dma_wait3A_147, %dma_wait3A_148, %dma_wait3A_149, %dma_wait3A_150] : memref<5x2x128x64xf32, #tpu.memory_space<vmem>> -> memref<1x1x128x64xf32, #tpu.memory_space<vmem>>
      %dma_wait3A_152 = tpu.memref_squeeze %dma_wait3A_151 : memref<1x1x128x64xf32, #tpu.memory_space<vmem>> -> memref<128x64xf32, #tpu.memory_space<vmem>>
      %dma_wait3A_153 = arith.constant 0 : i32
      %dma_wait3A_154 = tpu.memref_slice %arg5[%add3A_146, %dma_wait3A_153] : memref<200x128xi32, #tpu.memory_space<vmem>> -> memref<1x128xi32, #tpu.memory_space<vmem>>
      %dma_wait3A_155 = tpu.memref_squeeze %dma_wait3A_154 : memref<1x128xi32, #tpu.memory_space<vmem>> -> memref<128xi32, #tpu.memory_space<vmem>>
      %dma_wait3A_156 = arith.constant 0 : i32
      %dma_wait3A_157 = arith.constant 0 : i32
      %dma_wait3A_158 = tpu.memref_slice %arg3[%dma_wait3A_156, %dma_wait3A_157] : memref<1000000x64xf32, #tpu.memory_space<hbm>> -> memref<1000000x64xf32, #tpu.memory_space<hbm>>
      tpu.wait_indirect_dma semaphore(%arg7 : memref<!tpu.dma_semaphore, #tpu.memory_space<semaphore_mem>>) src(%dma_wait3A_158 : memref<1000000x64xf32, #tpu.memory_space<hbm>>) dst(%dma_wait3A_152 : memref<128x64xf32, #tpu.memory_space<vmem>>)
      %mul3A_159 = arith.constant 2 : i32
      %mul3A_160 = arith.muli %add3A_133, %mul3A_159 : i32
      %add3A_161 = arith.constant 1 : i32
      %add3A_162 = arith.addi %mul3A_160, %add3A_161 : i32
      %dma_wait3A_163 = arith.constant 0 : i32
      %dma_wait3A_164 = arith.constant 1 : i32
      %dma_wait3A_165 = arith.constant 0 : i32
      %dma_wait3A_166 = arith.constant 0 : i32
      %dma_wait3A_167 = tpu.memref_slice %arg6[%dma_wait3A_163, %dma_wait3A_164, %dma_wait3A_165, %dma_wait3A_166] : memref<5x2x128x64xf32, #tpu.memory_space<vmem>> -> memref<1x1x128x64xf32, #tpu.memory_space<vmem>>
      %dma_wait3A_168 = tpu.memref_squeeze %dma_wait3A_167 : memref<1x1x128x64xf32, #tpu.memory_space<vmem>> -> memref<128x64xf32, #tpu.memory_space<vmem>>
      %dma_wait3A_169 = arith.constant 0 : i32
      %dma_wait3A_170 = tpu.memref_slice %arg5[%add3A_162, %dma_wait3A_169] : memref<200x128xi32, #tpu.memory_space<vmem>> -> memref<1x128xi32, #tpu.memory_space<vmem>>
      %dma_wait3A_171 = tpu.memref_squeeze %dma_wait3A_170 : memref<1x128xi32, #tpu.memory_space<vmem>> -> memref<128xi32, #tpu.memory_space<vmem>>
      %dma_wait3A_172 = arith.constant 0 : i32
      %dma_wait3A_173 = arith.constant 0 : i32
      %dma_wait3A_174 = tpu.memref_slice %arg3[%dma_wait3A_172, %dma_wait3A_173] : memref<1000000x64xf32, #tpu.memory_space<hbm>> -> memref<1000000x64xf32, #tpu.memory_space<hbm>>
      tpu.wait_indirect_dma semaphore(%arg7 : memref<!tpu.dma_semaphore, #tpu.memory_space<semaphore_mem>>) src(%dma_wait3A_174 : memref<1000000x64xf32, #tpu.memory_space<hbm>>) dst(%dma_wait3A_168 : memref<128x64xf32, #tpu.memory_space<vmem>>)
      %mul3A_175 = arith.constant 2 : i32
      %mul3A_176 = arith.muli %add3A_133, %mul3A_175 : i32
      %add3A_177 = arith.addi %mul3A_2, %mul3A_176 : i32
      %dma_start3A_178 = arith.constant 0 : i32
      %dma_start3A_179 = arith.constant 0 : i32
      %dma_start3A_180 = arith.constant 0 : i32
      %dma_start3A_181 = arith.constant 0 : i32
      %dma_start3A_182 = tpu.memref_slice %arg6[%dma_start3A_178, %dma_start3A_179, %dma_start3A_180, %dma_start3A_181] : memref<5x2x128x64xf32, #tpu.memory_space<vmem>> -> memref<1x2x128x64xf32, #tpu.memory_space<vmem>>
      %dma_start3A_183 = tpu.memref_squeeze %dma_start3A_182 : memref<1x2x128x64xf32, #tpu.memory_space<vmem>> -> memref<2x128x64xf32, #tpu.memory_space<vmem>>
      %dma_start3A_184 = arith.constant 0 : i32
      %dma_start3A_185 = arith.constant 0 : i32
      %dma_start3A_186 = tpu.memref_slice %arg4[%add3A_177, %dma_start3A_184, %dma_start3A_185] : memref<6400x128x64xf32, #tpu.memory_space<hbm>> -> memref<2x128x64xf32, #tpu.memory_space<hbm>>
      %dma_start3A_187 = arith.constant 0 : i32
      %dma_start3A_188 = arith.constant 0 : i32
      %dma_start3A_189 = tpu.memref_slice %arg4[%add3A_177, %dma_start3A_187, %dma_start3A_188] : memref<6400x128x64xf32, #tpu.memory_space<hbm>> -> memref<2x128x64xf32, #tpu.memory_space<hbm>>
      %dma_start3A_190 = arith.constant 0 : i32
      %dma_start3A_191 = arith.constant 0 : i32
      %dma_start3A_192 = arith.constant 0 : i32
      %dma_start3A_193 = tpu.memref_slice %arg6[%dma_start3A_178, %dma_start3A_190, %dma_start3A_191, %dma_start3A_192] : memref<5x2x128x64xf32, #tpu.memory_space<vmem>> -> memref<1x2x128x64xf32, #tpu.memory_space<vmem>>
      %dma_start3A_194 = tpu.memref_squeeze %dma_start3A_193 : memref<1x2x128x64xf32, #tpu.memory_space<vmem>> -> memref<2x128x64xf32, #tpu.memory_space<vmem>>
      tpu.enqueue_dma source(%dma_start3A_194 : memref<2x128x64xf32, #tpu.memory_space<vmem>>) target(%dma_start3A_189 : memref<2x128x64xf32, #tpu.memory_space<hbm>>) target_semaphore(%arg12 : memref<!tpu.dma_semaphore, #tpu.memory_space<semaphore_mem>>)
      %mul3A_195 = arith.constant 5 : i32
      %mul3A_196 = arith.muli %scan3A_129, %mul3A_195 : i32
      %add3A_197 = arith.constant 1 : i32
      %add3A_198 = arith.addi %mul3A_196, %add3A_197 : i32
      %gt3A_199 = arith.constant 0 : i32
      %gt3A_200 = arith.cmpi sgt, %add3A_198, %gt3A_199 : i32
      %convert_element_type3A_201 = arith.extui %gt3A_200 : i1 to i32
      %cond3A_202 = arith.constant 0 : i32
      %cond3A_203 = arith.cmpi ne, %convert_element_type3A_201, %cond3A_202 : i32
      scf.if %cond3A_203 {
        %sub3A_475 = arith.constant 1 : i32
        %sub3A_476 = arith.subi %add3A_198, %sub3A_475 : i32
        %mul3A_477 = arith.constant 2 : i32
        %mul3A_478 = arith.muli %sub3A_476, %mul3A_477 : i32
        %add3A_479 = arith.addi %mul3A_2, %mul3A_478 : i32
        %dma_wait3A_480 = arith.constant 0 : i32
        %dma_wait3A_481 = arith.constant 0 : i32
        %dma_wait3A_482 = arith.constant 0 : i32
        %dma_wait3A_483 = arith.constant 0 : i32
        %dma_wait3A_484 = tpu.memref_slice %arg6[%dma_wait3A_480, %dma_wait3A_481, %dma_wait3A_482, %dma_wait3A_483] : memref<5x2x128x64xf32, #tpu.memory_space<vmem>> -> memref<1x2x128x64xf32, #tpu.memory_space<vmem>>
        %dma_wait3A_485 = tpu.memref_squeeze %dma_wait3A_484 : memref<1x2x128x64xf32, #tpu.memory_space<vmem>> -> memref<2x128x64xf32, #tpu.memory_space<vmem>>
        %dma_wait3A_486 = arith.constant 0 : i32
        %dma_wait3A_487 = arith.constant 0 : i32
        %dma_wait3A_488 = tpu.memref_slice %arg4[%add3A_479, %dma_wait3A_486, %dma_wait3A_487] : memref<6400x128x64xf32, #tpu.memory_space<hbm>> -> memref<2x128x64xf32, #tpu.memory_space<hbm>>
        %dma_wait3A_489 = arith.constant 0 : i32
        %dma_wait3A_490 = arith.constant 0 : i32
        %dma_wait3A_491 = tpu.memref_slice %arg4[%add3A_479, %dma_wait3A_489, %dma_wait3A_490] : memref<6400x128x64xf32, #tpu.memory_space<hbm>> -> memref<2x128x64xf32, #tpu.memory_space<hbm>>
        %dma_wait3A_492 = arith.constant 0 : i32
        %dma_wait3A_493 = arith.constant 0 : i32
        %dma_wait3A_494 = arith.constant 0 : i32
        %dma_wait3A_495 = tpu.memref_slice %arg6[%dma_wait3A_480, %dma_wait3A_492, %dma_wait3A_493, %dma_wait3A_494] : memref<5x2x128x64xf32, #tpu.memory_space<vmem>> -> memref<1x2x128x64xf32, #tpu.memory_space<vmem>>
        %dma_wait3A_496 = tpu.memref_squeeze %dma_wait3A_495 : memref<1x2x128x64xf32, #tpu.memory_space<vmem>> -> memref<2x128x64xf32, #tpu.memory_space<vmem>>
        tpu.wait_dma2 semaphore(%arg12 : memref<!tpu.dma_semaphore, #tpu.memory_space<semaphore_mem>>) src(%dma_wait3A_496 : memref<2x128x64xf32, #tpu.memory_space<vmem>>) dst(%dma_wait3A_491 : memref<2x128x64xf32, #tpu.memory_space<hbm>>)
      } else {
      }
      %add3A_204 = arith.constant 5 : i32
      %add3A_205 = arith.addi %add3A_198, %add3A_204 : i32
      %sub3A_206 = arith.constant 1 : i32
      %sub3A_207 = arith.subi %add3A_205, %sub3A_206 : i32
      %lt3A_208 = arith.constant 100 : i32
      %lt3A_209 = arith.cmpi slt, %sub3A_207, %lt3A_208 : i32
      %convert_element_type3A_210 = arith.extui %lt3A_209 : i1 to i32
      %cond3A_211 = arith.constant 0 : i32
      %cond3A_212 = arith.cmpi ne, %convert_element_type3A_210, %cond3A_211 : i32
      scf.if %cond3A_212 {
        %add3A_475 = arith.constant 5 : i32
        %add3A_476 = arith.addi %add3A_198, %add3A_475 : i32
        %sub3A_477 = arith.constant 1 : i32
        %sub3A_478 = arith.subi %add3A_476, %sub3A_477 : i32
        %mul3A_479 = arith.constant 2 : i32
        %mul3A_480 = arith.muli %sub3A_478, %mul3A_479 : i32
        %add3A_481 = arith.constant 0 : i32
        %add3A_482 = arith.addi %mul3A_480, %add3A_481 : i32
        %dma_start3A_483 = arith.constant 0 : i32
        %dma_start3A_484 = arith.constant 0 : i32
        %dma_start3A_485 = arith.constant 0 : i32
        %dma_start3A_486 = arith.constant 0 : i32
        %dma_start3A_487 = tpu.memref_slice %arg6[%dma_start3A_483, %dma_start3A_484, %dma_start3A_485, %dma_start3A_486] : memref<5x2x128x64xf32, #tpu.memory_space<vmem>> -> memref<1x1x128x64xf32, #tpu.memory_space<vmem>>
        %dma_start3A_488 = tpu.memref_squeeze %dma_start3A_487 : memref<1x1x128x64xf32, #tpu.memory_space<vmem>> -> memref<128x64xf32, #tpu.memory_space<vmem>>
        %dma_start3A_489 = arith.constant 0 : i32
        %dma_start3A_490 = tpu.memref_slice %arg5[%add3A_482, %dma_start3A_489] : memref<200x128xi32, #tpu.memory_space<vmem>> -> memref<1x128xi32, #tpu.memory_space<vmem>>
        %dma_start3A_491 = tpu.memref_squeeze %dma_start3A_490 : memref<1x128xi32, #tpu.memory_space<vmem>> -> memref<128xi32, #tpu.memory_space<vmem>>
        %dma_start3A_492 = arith.constant 0 : i32
        %dma_start3A_493 = arith.constant 0 : i32
        %dma_start3A_494 = tpu.memref_slice %arg3[%dma_start3A_492, %dma_start3A_493] : memref<1000000x64xf32, #tpu.memory_space<hbm>> -> memref<1000000x64xf32, #tpu.memory_space<hbm>>
        tpu.enqueue_indirect_dma source(%dma_start3A_494 : memref<1000000x64xf32, #tpu.memory_space<hbm>>) target(%dma_start3A_488 : memref<128x64xf32, #tpu.memory_space<vmem>>) offsets(%dma_start3A_491 : memref<128xi32, #tpu.memory_space<vmem>>) semaphore(%arg7 : memref<!tpu.dma_semaphore, #tpu.memory_space<semaphore_mem>>)
        %mul3A_495 = arith.constant 2 : i32
        %mul3A_496 = arith.muli %sub3A_478, %mul3A_495 : i32
        %add3A_497 = arith.constant 1 : i32
        %add3A_498 = arith.addi %mul3A_496, %add3A_497 : i32
        %dma_start3A_499 = arith.constant 0 : i32
        %dma_start3A_500 = arith.constant 1 : i32
        %dma_start3A_501 = arith.constant 0 : i32
        %dma_start3A_502 = arith.constant 0 : i32
        %dma_start3A_503 = tpu.memref_slice %arg6[%dma_start3A_499, %dma_start3A_500, %dma_start3A_501, %dma_start3A_502] : memref<5x2x128x64xf32, #tpu.memory_space<vmem>> -> memref<1x1x128x64xf32, #tpu.memory_space<vmem>>
        %dma_start3A_504 = tpu.memref_squeeze %dma_start3A_503 : memref<1x1x128x64xf32, #tpu.memory_space<vmem>> -> memref<128x64xf32, #tpu.memory_space<vmem>>
        %dma_start3A_505 = arith.constant 0 : i32
        %dma_start3A_506 = tpu.memref_slice %arg5[%add3A_498, %dma_start3A_505] : memref<200x128xi32, #tpu.memory_space<vmem>> -> memref<1x128xi32, #tpu.memory_space<vmem>>
        %dma_start3A_507 = tpu.memref_squeeze %dma_start3A_506 : memref<1x128xi32, #tpu.memory_space<vmem>> -> memref<128xi32, #tpu.memory_space<vmem>>
        %dma_start3A_508 = arith.constant 0 : i32
        %dma_start3A_509 = arith.constant 0 : i32
        %dma_start3A_510 = tpu.memref_slice %arg3[%dma_start3A_508, %dma_start3A_509] : memref<1000000x64xf32, #tpu.memory_space<hbm>> -> memref<1000000x64xf32, #tpu.memory_space<hbm>>
        tpu.enqueue_indirect_dma source(%dma_start3A_510 : memref<1000000x64xf32, #tpu.memory_space<hbm>>) target(%dma_start3A_504 : memref<128x64xf32, #tpu.memory_space<vmem>>) offsets(%dma_start3A_507 : memref<128xi32, #tpu.memory_space<vmem>>) semaphore(%arg7 : memref<!tpu.dma_semaphore, #tpu.memory_space<semaphore_mem>>)
      } else {
      }
      %mul3A_213 = arith.constant 2 : i32
      %mul3A_214 = arith.muli %add3A_198, %mul3A_213 : i32
      %add3A_215 = arith.constant 0 : i32
      %add3A_216 = arith.addi %mul3A_214, %add3A_215 : i32
      %dma_wait3A_217 = arith.constant 1 : i32
      %dma_wait3A_218 = arith.constant 0 : i32
      %dma_wait3A_219 = arith.constant 0 : i32
      %dma_wait3A_220 = arith.constant 0 : i32
      %dma_wait3A_221 = tpu.memref_slice %arg6[%dma_wait3A_217, %dma_wait3A_218, %dma_wait3A_219, %dma_wait3A_220] : memref<5x2x128x64xf32, #tpu.memory_space<vmem>> -> memref<1x1x128x64xf32, #tpu.memory_space<vmem>>
      %dma_wait3A_222 = tpu.memref_squeeze %dma_wait3A_221 : memref<1x1x128x64xf32, #tpu.memory_space<vmem>> -> memref<128x64xf32, #tpu.memory_space<vmem>>
      %dma_wait3A_223 = arith.constant 0 : i32
      %dma_wait3A_224 = tpu.memref_slice %arg5[%add3A_216, %dma_wait3A_223] : memref<200x128xi32, #tpu.memory_space<vmem>> -> memref<1x128xi32, #tpu.memory_space<vmem>>
      %dma_wait3A_225 = tpu.memref_squeeze %dma_wait3A_224 : memref<1x128xi32, #tpu.memory_space<vmem>> -> memref<128xi32, #tpu.memory_space<vmem>>
      %dma_wait3A_226 = arith.constant 0 : i32
      %dma_wait3A_227 = arith.constant 0 : i32
      %dma_wait3A_228 = tpu.memref_slice %arg3[%dma_wait3A_226, %dma_wait3A_227] : memref<1000000x64xf32, #tpu.memory_space<hbm>> -> memref<1000000x64xf32, #tpu.memory_space<hbm>>
      tpu.wait_indirect_dma semaphore(%arg8 : memref<!tpu.dma_semaphore, #tpu.memory_space<semaphore_mem>>) src(%dma_wait3A_228 : memref<1000000x64xf32, #tpu.memory_space<hbm>>) dst(%dma_wait3A_222 : memref<128x64xf32, #tpu.memory_space<vmem>>)
      %mul3A_229 = arith.constant 2 : i32
      %mul3A_230 = arith.muli %add3A_198, %mul3A_229 : i32
      %add3A_231 = arith.constant 1 : i32
      %add3A_232 = arith.addi %mul3A_230, %add3A_231 : i32
      %dma_wait3A_233 = arith.constant 1 : i32
      %dma_wait3A_234 = arith.constant 1 : i32
      %dma_wait3A_235 = arith.constant 0 : i32
      %dma_wait3A_236 = arith.constant 0 : i32
      %dma_wait3A_237 = tpu.memref_slice %arg6[%dma_wait3A_233, %dma_wait3A_234, %dma_wait3A_235, %dma_wait3A_236] : memref<5x2x128x64xf32, #tpu.memory_space<vmem>> -> memref<1x1x128x64xf32, #tpu.memory_space<vmem>>
      %dma_wait3A_238 = tpu.memref_squeeze %dma_wait3A_237 : memref<1x1x128x64xf32, #tpu.memory_space<vmem>> -> memref<128x64xf32, #tpu.memory_space<vmem>>
      %dma_wait3A_239 = arith.constant 0 : i32
      %dma_wait3A_240 = tpu.memref_slice %arg5[%add3A_232, %dma_wait3A_239] : memref<200x128xi32, #tpu.memory_space<vmem>> -> memref<1x128xi32, #tpu.memory_space<vmem>>
      %dma_wait3A_241 = tpu.memref_squeeze %dma_wait3A_240 : memref<1x128xi32, #tpu.memory_space<vmem>> -> memref<128xi32, #tpu.memory_space<vmem>>
      %dma_wait3A_242 = arith.constant 0 : i32
      %dma_wait3A_243 = arith.constant 0 : i32
      %dma_wait3A_244 = tpu.memref_slice %arg3[%dma_wait3A_242, %dma_wait3A_243] : memref<1000000x64xf32, #tpu.memory_space<hbm>> -> memref<1000000x64xf32, #tpu.memory_space<hbm>>
      tpu.wait_indirect_dma semaphore(%arg8 : memref<!tpu.dma_semaphore, #tpu.memory_space<semaphore_mem>>) src(%dma_wait3A_244 : memref<1000000x64xf32, #tpu.memory_space<hbm>>) dst(%dma_wait3A_238 : memref<128x64xf32, #tpu.memory_space<vmem>>)
      %mul3A_245 = arith.constant 2 : i32
      %mul3A_246 = arith.muli %add3A_198, %mul3A_245 : i32
      %add3A_247 = arith.addi %mul3A_2, %mul3A_246 : i32
      %dma_start3A_248 = arith.constant 1 : i32
      %dma_start3A_249 = arith.constant 0 : i32
      %dma_start3A_250 = arith.constant 0 : i32
      %dma_start3A_251 = arith.constant 0 : i32
      %dma_start3A_252 = tpu.memref_slice %arg6[%dma_start3A_248, %dma_start3A_249, %dma_start3A_250, %dma_start3A_251] : memref<5x2x128x64xf32, #tpu.memory_space<vmem>> -> memref<1x2x128x64xf32, #tpu.memory_space<vmem>>
      %dma_start3A_253 = tpu.memref_squeeze %dma_start3A_252 : memref<1x2x128x64xf32, #tpu.memory_space<vmem>> -> memref<2x128x64xf32, #tpu.memory_space<vmem>>
      %dma_start3A_254 = arith.constant 0 : i32
      %dma_start3A_255 = arith.constant 0 : i32
      %dma_start3A_256 = tpu.memref_slice %arg4[%add3A_247, %dma_start3A_254, %dma_start3A_255] : memref<6400x128x64xf32, #tpu.memory_space<hbm>> -> memref<2x128x64xf32, #tpu.memory_space<hbm>>
      %dma_start3A_257 = arith.constant 0 : i32
      %dma_start3A_258 = arith.constant 0 : i32
      %dma_start3A_259 = tpu.memref_slice %arg4[%add3A_247, %dma_start3A_257, %dma_start3A_258] : memref<6400x128x64xf32, #tpu.memory_space<hbm>> -> memref<2x128x64xf32, #tpu.memory_space<hbm>>
      %dma_start3A_260 = arith.constant 0 : i32
      %dma_start3A_261 = arith.constant 0 : i32
      %dma_start3A_262 = arith.constant 0 : i32
      %dma_start3A_263 = tpu.memref_slice %arg6[%dma_start3A_248, %dma_start3A_260, %dma_start3A_261, %dma_start3A_262] : memref<5x2x128x64xf32, #tpu.memory_space<vmem>> -> memref<1x2x128x64xf32, #tpu.memory_space<vmem>>
      %dma_start3A_264 = tpu.memref_squeeze %dma_start3A_263 : memref<1x2x128x64xf32, #tpu.memory_space<vmem>> -> memref<2x128x64xf32, #tpu.memory_space<vmem>>
      tpu.enqueue_dma source(%dma_start3A_264 : memref<2x128x64xf32, #tpu.memory_space<vmem>>) target(%dma_start3A_259 : memref<2x128x64xf32, #tpu.memory_space<hbm>>) target_semaphore(%arg13 : memref<!tpu.dma_semaphore, #tpu.memory_space<semaphore_mem>>)
      %mul3A_265 = arith.constant 5 : i32
      %mul3A_266 = arith.muli %scan3A_129, %mul3A_265 : i32
      %add3A_267 = arith.constant 2 : i32
      %add3A_268 = arith.addi %mul3A_266, %add3A_267 : i32
      %gt3A_269 = arith.constant 0 : i32
      %gt3A_270 = arith.cmpi sgt, %add3A_268, %gt3A_269 : i32
      %convert_element_type3A_271 = arith.extui %gt3A_270 : i1 to i32
      %cond3A_272 = arith.constant 0 : i32
      %cond3A_273 = arith.cmpi ne, %convert_element_type3A_271, %cond3A_272 : i32
      scf.if %cond3A_273 {
        %sub3A_475 = arith.constant 1 : i32
        %sub3A_476 = arith.subi %add3A_268, %sub3A_475 : i32
        %mul3A_477 = arith.constant 2 : i32
        %mul3A_478 = arith.muli %sub3A_476, %mul3A_477 : i32
        %add3A_479 = arith.addi %mul3A_2, %mul3A_478 : i32
        %dma_wait3A_480 = arith.constant 1 : i32
        %dma_wait3A_481 = arith.constant 0 : i32
        %dma_wait3A_482 = arith.constant 0 : i32
        %dma_wait3A_483 = arith.constant 0 : i32
        %dma_wait3A_484 = tpu.memref_slice %arg6[%dma_wait3A_480, %dma_wait3A_481, %dma_wait3A_482, %dma_wait3A_483] : memref<5x2x128x64xf32, #tpu.memory_space<vmem>> -> memref<1x2x128x64xf32, #tpu.memory_space<vmem>>
        %dma_wait3A_485 = tpu.memref_squeeze %dma_wait3A_484 : memref<1x2x128x64xf32, #tpu.memory_space<vmem>> -> memref<2x128x64xf32, #tpu.memory_space<vmem>>
        %dma_wait3A_486 = arith.constant 0 : i32
        %dma_wait3A_487 = arith.constant 0 : i32
        %dma_wait3A_488 = tpu.memref_slice %arg4[%add3A_479, %dma_wait3A_486, %dma_wait3A_487] : memref<6400x128x64xf32, #tpu.memory_space<hbm>> -> memref<2x128x64xf32, #tpu.memory_space<hbm>>
        %dma_wait3A_489 = arith.constant 0 : i32
        %dma_wait3A_490 = arith.constant 0 : i32
        %dma_wait3A_491 = tpu.memref_slice %arg4[%add3A_479, %dma_wait3A_489, %dma_wait3A_490] : memref<6400x128x64xf32, #tpu.memory_space<hbm>> -> memref<2x128x64xf32, #tpu.memory_space<hbm>>
        %dma_wait3A_492 = arith.constant 0 : i32
        %dma_wait3A_493 = arith.constant 0 : i32
        %dma_wait3A_494 = arith.constant 0 : i32
        %dma_wait3A_495 = tpu.memref_slice %arg6[%dma_wait3A_480, %dma_wait3A_492, %dma_wait3A_493, %dma_wait3A_494] : memref<5x2x128x64xf32, #tpu.memory_space<vmem>> -> memref<1x2x128x64xf32, #tpu.memory_space<vmem>>
        %dma_wait3A_496 = tpu.memref_squeeze %dma_wait3A_495 : memref<1x2x128x64xf32, #tpu.memory_space<vmem>> -> memref<2x128x64xf32, #tpu.memory_space<vmem>>
        tpu.wait_dma2 semaphore(%arg13 : memref<!tpu.dma_semaphore, #tpu.memory_space<semaphore_mem>>) src(%dma_wait3A_496 : memref<2x128x64xf32, #tpu.memory_space<vmem>>) dst(%dma_wait3A_491 : memref<2x128x64xf32, #tpu.memory_space<hbm>>)
      } else {
      }
      %add3A_274 = arith.constant 5 : i32
      %add3A_275 = arith.addi %add3A_268, %add3A_274 : i32
      %sub3A_276 = arith.constant 1 : i32
      %sub3A_277 = arith.subi %add3A_275, %sub3A_276 : i32
      %lt3A_278 = arith.constant 100 : i32
      %lt3A_279 = arith.cmpi slt, %sub3A_277, %lt3A_278 : i32
      %convert_element_type3A_280 = arith.extui %lt3A_279 : i1 to i32
      %cond3A_281 = arith.constant 0 : i32
      %cond3A_282 = arith.cmpi ne, %convert_element_type3A_280, %cond3A_281 : i32
      scf.if %cond3A_282 {
        %add3A_475 = arith.constant 5 : i32
        %add3A_476 = arith.addi %add3A_268, %add3A_475 : i32
        %sub3A_477 = arith.constant 1 : i32
        %sub3A_478 = arith.subi %add3A_476, %sub3A_477 : i32
        %mul3A_479 = arith.constant 2 : i32
        %mul3A_480 = arith.muli %sub3A_478, %mul3A_479 : i32
        %add3A_481 = arith.constant 0 : i32
        %add3A_482 = arith.addi %mul3A_480, %add3A_481 : i32
        %dma_start3A_483 = arith.constant 1 : i32
        %dma_start3A_484 = arith.constant 0 : i32
        %dma_start3A_485 = arith.constant 0 : i32
        %dma_start3A_486 = arith.constant 0 : i32
        %dma_start3A_487 = tpu.memref_slice %arg6[%dma_start3A_483, %dma_start3A_484, %dma_start3A_485, %dma_start3A_486] : memref<5x2x128x64xf32, #tpu.memory_space<vmem>> -> memref<1x1x128x64xf32, #tpu.memory_space<vmem>>
        %dma_start3A_488 = tpu.memref_squeeze %dma_start3A_487 : memref<1x1x128x64xf32, #tpu.memory_space<vmem>> -> memref<128x64xf32, #tpu.memory_space<vmem>>
        %dma_start3A_489 = arith.constant 0 : i32
        %dma_start3A_490 = tpu.memref_slice %arg5[%add3A_482, %dma_start3A_489] : memref<200x128xi32, #tpu.memory_space<vmem>> -> memref<1x128xi32, #tpu.memory_space<vmem>>
        %dma_start3A_491 = tpu.memref_squeeze %dma_start3A_490 : memref<1x128xi32, #tpu.memory_space<vmem>> -> memref<128xi32, #tpu.memory_space<vmem>>
        %dma_start3A_492 = arith.constant 0 : i32
        %dma_start3A_493 = arith.constant 0 : i32
        %dma_start3A_494 = tpu.memref_slice %arg3[%dma_start3A_492, %dma_start3A_493] : memref<1000000x64xf32, #tpu.memory_space<hbm>> -> memref<1000000x64xf32, #tpu.memory_space<hbm>>
        tpu.enqueue_indirect_dma source(%dma_start3A_494 : memref<1000000x64xf32, #tpu.memory_space<hbm>>) target(%dma_start3A_488 : memref<128x64xf32, #tpu.memory_space<vmem>>) offsets(%dma_start3A_491 : memref<128xi32, #tpu.memory_space<vmem>>) semaphore(%arg8 : memref<!tpu.dma_semaphore, #tpu.memory_space<semaphore_mem>>)
        %mul3A_495 = arith.constant 2 : i32
        %mul3A_496 = arith.muli %sub3A_478, %mul3A_495 : i32
        %add3A_497 = arith.constant 1 : i32
        %add3A_498 = arith.addi %mul3A_496, %add3A_497 : i32
        %dma_start3A_499 = arith.constant 1 : i32
        %dma_start3A_500 = arith.constant 1 : i32
        %dma_start3A_501 = arith.constant 0 : i32
        %dma_start3A_502 = arith.constant 0 : i32
        %dma_start3A_503 = tpu.memref_slice %arg6[%dma_start3A_499, %dma_start3A_500, %dma_start3A_501, %dma_start3A_502] : memref<5x2x128x64xf32, #tpu.memory_space<vmem>> -> memref<1x1x128x64xf32, #tpu.memory_space<vmem>>
        %dma_start3A_504 = tpu.memref_squeeze %dma_start3A_503 : memref<1x1x128x64xf32, #tpu.memory_space<vmem>> -> memref<128x64xf32, #tpu.memory_space<vmem>>
        %dma_start3A_505 = arith.constant 0 : i32
        %dma_start3A_506 = tpu.memref_slice %arg5[%add3A_498, %dma_start3A_505] : memref<200x128xi32, #tpu.memory_space<vmem>> -> memref<1x128xi32, #tpu.memory_space<vmem>>
        %dma_start3A_507 = tpu.memref_squeeze %dma_start3A_506 : memref<1x128xi32, #tpu.memory_space<vmem>> -> memref<128xi32, #tpu.memory_space<vmem>>
        %dma_start3A_508 = arith.constant 0 : i32
        %dma_start3A_509 = arith.constant 0 : i32
        %dma_start3A_510 = tpu.memref_slice %arg3[%dma_start3A_508, %dma_start3A_509] : memref<1000000x64xf32, #tpu.memory_space<hbm>> -> memref<1000000x64xf32, #tpu.memory_space<hbm>>
        tpu.enqueue_indirect_dma source(%dma_start3A_510 : memref<1000000x64xf32, #tpu.memory_space<hbm>>) target(%dma_start3A_504 : memref<128x64xf32, #tpu.memory_space<vmem>>) offsets(%dma_start3A_507 : memref<128xi32, #tpu.memory_space<vmem>>) semaphore(%arg8 : memref<!tpu.dma_semaphore, #tpu.memory_space<semaphore_mem>>)
      } else {
      }
      %mul3A_283 = arith.constant 2 : i32
      %mul3A_284 = arith.muli %add3A_268, %mul3A_283 : i32
      %add3A_285 = arith.constant 0 : i32
      %add3A_286 = arith.addi %mul3A_284, %add3A_285 : i32
      %dma_wait3A_287 = arith.constant 2 : i32
      %dma_wait3A_288 = arith.constant 0 : i32
      %dma_wait3A_289 = arith.constant 0 : i32
      %dma_wait3A_290 = arith.constant 0 : i32
      %dma_wait3A_291 = tpu.memref_slice %arg6[%dma_wait3A_287, %dma_wait3A_288, %dma_wait3A_289, %dma_wait3A_290] : memref<5x2x128x64xf32, #tpu.memory_space<vmem>> -> memref<1x1x128x64xf32, #tpu.memory_space<vmem>>
      %dma_wait3A_292 = tpu.memref_squeeze %dma_wait3A_291 : memref<1x1x128x64xf32, #tpu.memory_space<vmem>> -> memref<128x64xf32, #tpu.memory_space<vmem>>
      %dma_wait3A_293 = arith.constant 0 : i32
      %dma_wait3A_294 = tpu.memref_slice %arg5[%add3A_286, %dma_wait3A_293] : memref<200x128xi32, #tpu.memory_space<vmem>> -> memref<1x128xi32, #tpu.memory_space<vmem>>
      %dma_wait3A_295 = tpu.memref_squeeze %dma_wait3A_294 : memref<1x128xi32, #tpu.memory_space<vmem>> -> memref<128xi32, #tpu.memory_space<vmem>>
      %dma_wait3A_296 = arith.constant 0 : i32
      %dma_wait3A_297 = arith.constant 0 : i32
      %dma_wait3A_298 = tpu.memref_slice %arg3[%dma_wait3A_296, %dma_wait3A_297] : memref<1000000x64xf32, #tpu.memory_space<hbm>> -> memref<1000000x64xf32, #tpu.memory_space<hbm>>
      tpu.wait_indirect_dma semaphore(%arg9 : memref<!tpu.dma_semaphore, #tpu.memory_space<semaphore_mem>>) src(%dma_wait3A_298 : memref<1000000x64xf32, #tpu.memory_space<hbm>>) dst(%dma_wait3A_292 : memref<128x64xf32, #tpu.memory_space<vmem>>)
      %mul3A_299 = arith.constant 2 : i32
      %mul3A_300 = arith.muli %add3A_268, %mul3A_299 : i32
      %add3A_301 = arith.constant 1 : i32
      %add3A_302 = arith.addi %mul3A_300, %add3A_301 : i32
      %dma_wait3A_303 = arith.constant 2 : i32
      %dma_wait3A_304 = arith.constant 1 : i32
      %dma_wait3A_305 = arith.constant 0 : i32
      %dma_wait3A_306 = arith.constant 0 : i32
      %dma_wait3A_307 = tpu.memref_slice %arg6[%dma_wait3A_303, %dma_wait3A_304, %dma_wait3A_305, %dma_wait3A_306] : memref<5x2x128x64xf32, #tpu.memory_space<vmem>> -> memref<1x1x128x64xf32, #tpu.memory_space<vmem>>
      %dma_wait3A_308 = tpu.memref_squeeze %dma_wait3A_307 : memref<1x1x128x64xf32, #tpu.memory_space<vmem>> -> memref<128x64xf32, #tpu.memory_space<vmem>>
      %dma_wait3A_309 = arith.constant 0 : i32
      %dma_wait3A_310 = tpu.memref_slice %arg5[%add3A_302, %dma_wait3A_309] : memref<200x128xi32, #tpu.memory_space<vmem>> -> memref<1x128xi32, #tpu.memory_space<vmem>>
      %dma_wait3A_311 = tpu.memref_squeeze %dma_wait3A_310 : memref<1x128xi32, #tpu.memory_space<vmem>> -> memref<128xi32, #tpu.memory_space<vmem>>
      %dma_wait3A_312 = arith.constant 0 : i32
      %dma_wait3A_313 = arith.constant 0 : i32
      %dma_wait3A_314 = tpu.memref_slice %arg3[%dma_wait3A_312, %dma_wait3A_313] : memref<1000000x64xf32, #tpu.memory_space<hbm>> -> memref<1000000x64xf32, #tpu.memory_space<hbm>>
      tpu.wait_indirect_dma semaphore(%arg9 : memref<!tpu.dma_semaphore, #tpu.memory_space<semaphore_mem>>) src(%dma_wait3A_314 : memref<1000000x64xf32, #tpu.memory_space<hbm>>) dst(%dma_wait3A_308 : memref<128x64xf32, #tpu.memory_space<vmem>>)
      %mul3A_315 = arith.constant 2 : i32
      %mul3A_316 = arith.muli %add3A_268, %mul3A_315 : i32
      %add3A_317 = arith.addi %mul3A_2, %mul3A_316 : i32
      %dma_start3A_318 = arith.constant 2 : i32
      %dma_start3A_319 = arith.constant 0 : i32
      %dma_start3A_320 = arith.constant 0 : i32
      %dma_start3A_321 = arith.constant 0 : i32
      %dma_start3A_322 = tpu.memref_slice %arg6[%dma_start3A_318, %dma_start3A_319, %dma_start3A_320, %dma_start3A_321] : memref<5x2x128x64xf32, #tpu.memory_space<vmem>> -> memref<1x2x128x64xf32, #tpu.memory_space<vmem>>
      %dma_start3A_323 = tpu.memref_squeeze %dma_start3A_322 : memref<1x2x128x64xf32, #tpu.memory_space<vmem>> -> memref<2x128x64xf32, #tpu.memory_space<vmem>>
      %dma_start3A_324 = arith.constant 0 : i32
      %dma_start3A_325 = arith.constant 0 : i32
      %dma_start3A_326 = tpu.memref_slice %arg4[%add3A_317, %dma_start3A_324, %dma_start3A_325] : memref<6400x128x64xf32, #tpu.memory_space<hbm>> -> memref<2x128x64xf32, #tpu.memory_space<hbm>>
      %dma_start3A_327 = arith.constant 0 : i32
      %dma_start3A_328 = arith.constant 0 : i32
      %dma_start3A_329 = tpu.memref_slice %arg4[%add3A_317, %dma_start3A_327, %dma_start3A_328] : memref<6400x128x64xf32, #tpu.memory_space<hbm>> -> memref<2x128x64xf32, #tpu.memory_space<hbm>>
      %dma_start3A_330 = arith.constant 0 : i32
      %dma_start3A_331 = arith.constant 0 : i32
      %dma_start3A_332 = arith.constant 0 : i32
      %dma_start3A_333 = tpu.memref_slice %arg6[%dma_start3A_318, %dma_start3A_330, %dma_start3A_331, %dma_start3A_332] : memref<5x2x128x64xf32, #tpu.memory_space<vmem>> -> memref<1x2x128x64xf32, #tpu.memory_space<vmem>>
      %dma_start3A_334 = tpu.memref_squeeze %dma_start3A_333 : memref<1x2x128x64xf32, #tpu.memory_space<vmem>> -> memref<2x128x64xf32, #tpu.memory_space<vmem>>
      tpu.enqueue_dma source(%dma_start3A_334 : memref<2x128x64xf32, #tpu.memory_space<vmem>>) target(%dma_start3A_329 : memref<2x128x64xf32, #tpu.memory_space<hbm>>) target_semaphore(%arg14 : memref<!tpu.dma_semaphore, #tpu.memory_space<semaphore_mem>>)
      %mul3A_335 = arith.constant 5 : i32
      %mul3A_336 = arith.muli %scan3A_129, %mul3A_335 : i32
      %add3A_337 = arith.constant 3 : i32
      %add3A_338 = arith.addi %mul3A_336, %add3A_337 : i32
      %gt3A_339 = arith.constant 0 : i32
      %gt3A_340 = arith.cmpi sgt, %add3A_338, %gt3A_339 : i32
      %convert_element_type3A_341 = arith.extui %gt3A_340 : i1 to i32
      %cond3A_342 = arith.constant 0 : i32
      %cond3A_343 = arith.cmpi ne, %convert_element_type3A_341, %cond3A_342 : i32
      scf.if %cond3A_343 {
        %sub3A_475 = arith.constant 1 : i32
        %sub3A_476 = arith.subi %add3A_338, %sub3A_475 : i32
        %mul3A_477 = arith.constant 2 : i32
        %mul3A_478 = arith.muli %sub3A_476, %mul3A_477 : i32
        %add3A_479 = arith.addi %mul3A_2, %mul3A_478 : i32
        %dma_wait3A_480 = arith.constant 2 : i32
        %dma_wait3A_481 = arith.constant 0 : i32
        %dma_wait3A_482 = arith.constant 0 : i32
        %dma_wait3A_483 = arith.constant 0 : i32
        %dma_wait3A_484 = tpu.memref_slice %arg6[%dma_wait3A_480, %dma_wait3A_481, %dma_wait3A_482, %dma_wait3A_483] : memref<5x2x128x64xf32, #tpu.memory_space<vmem>> -> memref<1x2x128x64xf32, #tpu.memory_space<vmem>>
        %dma_wait3A_485 = tpu.memref_squeeze %dma_wait3A_484 : memref<1x2x128x64xf32, #tpu.memory_space<vmem>> -> memref<2x128x64xf32, #tpu.memory_space<vmem>>
        %dma_wait3A_486 = arith.constant 0 : i32
        %dma_wait3A_487 = arith.constant 0 : i32
        %dma_wait3A_488 = tpu.memref_slice %arg4[%add3A_479, %dma_wait3A_486, %dma_wait3A_487] : memref<6400x128x64xf32, #tpu.memory_space<hbm>> -> memref<2x128x64xf32, #tpu.memory_space<hbm>>
        %dma_wait3A_489 = arith.constant 0 : i32
        %dma_wait3A_490 = arith.constant 0 : i32
        %dma_wait3A_491 = tpu.memref_slice %arg4[%add3A_479, %dma_wait3A_489, %dma_wait3A_490] : memref<6400x128x64xf32, #tpu.memory_space<hbm>> -> memref<2x128x64xf32, #tpu.memory_space<hbm>>
        %dma_wait3A_492 = arith.constant 0 : i32
        %dma_wait3A_493 = arith.constant 0 : i32
        %dma_wait3A_494 = arith.constant 0 : i32
        %dma_wait3A_495 = tpu.memref_slice %arg6[%dma_wait3A_480, %dma_wait3A_492, %dma_wait3A_493, %dma_wait3A_494] : memref<5x2x128x64xf32, #tpu.memory_space<vmem>> -> memref<1x2x128x64xf32, #tpu.memory_space<vmem>>
        %dma_wait3A_496 = tpu.memref_squeeze %dma_wait3A_495 : memref<1x2x128x64xf32, #tpu.memory_space<vmem>> -> memref<2x128x64xf32, #tpu.memory_space<vmem>>
        tpu.wait_dma2 semaphore(%arg14 : memref<!tpu.dma_semaphore, #tpu.memory_space<semaphore_mem>>) src(%dma_wait3A_496 : memref<2x128x64xf32, #tpu.memory_space<vmem>>) dst(%dma_wait3A_491 : memref<2x128x64xf32, #tpu.memory_space<hbm>>)
      } else {
      }
      %add3A_344 = arith.constant 5 : i32
      %add3A_345 = arith.addi %add3A_338, %add3A_344 : i32
      %sub3A_346 = arith.constant 1 : i32
      %sub3A_347 = arith.subi %add3A_345, %sub3A_346 : i32
      %lt3A_348 = arith.constant 100 : i32
      %lt3A_349 = arith.cmpi slt, %sub3A_347, %lt3A_348 : i32
      %convert_element_type3A_350 = arith.extui %lt3A_349 : i1 to i32
      %cond3A_351 = arith.constant 0 : i32
      %cond3A_352 = arith.cmpi ne, %convert_element_type3A_350, %cond3A_351 : i32
      scf.if %cond3A_352 {
        %add3A_475 = arith.constant 5 : i32
        %add3A_476 = arith.addi %add3A_338, %add3A_475 : i32
        %sub3A_477 = arith.constant 1 : i32
        %sub3A_478 = arith.subi %add3A_476, %sub3A_477 : i32
        %mul3A_479 = arith.constant 2 : i32
        %mul3A_480 = arith.muli %sub3A_478, %mul3A_479 : i32
        %add3A_481 = arith.constant 0 : i32
        %add3A_482 = arith.addi %mul3A_480, %add3A_481 : i32
        %dma_start3A_483 = arith.constant 2 : i32
        %dma_start3A_484 = arith.constant 0 : i32
        %dma_start3A_485 = arith.constant 0 : i32
        %dma_start3A_486 = arith.constant 0 : i32
        %dma_start3A_487 = tpu.memref_slice %arg6[%dma_start3A_483, %dma_start3A_484, %dma_start3A_485, %dma_start3A_486] : memref<5x2x128x64xf32, #tpu.memory_space<vmem>> -> memref<1x1x128x64xf32, #tpu.memory_space<vmem>>
        %dma_start3A_488 = tpu.memref_squeeze %dma_start3A_487 : memref<1x1x128x64xf32, #tpu.memory_space<vmem>> -> memref<128x64xf32, #tpu.memory_space<vmem>>
        %dma_start3A_489 = arith.constant 0 : i32
        %dma_start3A_490 = tpu.memref_slice %arg5[%add3A_482, %dma_start3A_489] : memref<200x128xi32, #tpu.memory_space<vmem>> -> memref<1x128xi32, #tpu.memory_space<vmem>>
        %dma_start3A_491 = tpu.memref_squeeze %dma_start3A_490 : memref<1x128xi32, #tpu.memory_space<vmem>> -> memref<128xi32, #tpu.memory_space<vmem>>
        %dma_start3A_492 = arith.constant 0 : i32
        %dma_start3A_493 = arith.constant 0 : i32
        %dma_start3A_494 = tpu.memref_slice %arg3[%dma_start3A_492, %dma_start3A_493] : memref<1000000x64xf32, #tpu.memory_space<hbm>> -> memref<1000000x64xf32, #tpu.memory_space<hbm>>
        tpu.enqueue_indirect_dma source(%dma_start3A_494 : memref<1000000x64xf32, #tpu.memory_space<hbm>>) target(%dma_start3A_488 : memref<128x64xf32, #tpu.memory_space<vmem>>) offsets(%dma_start3A_491 : memref<128xi32, #tpu.memory_space<vmem>>) semaphore(%arg9 : memref<!tpu.dma_semaphore, #tpu.memory_space<semaphore_mem>>)
        %mul3A_495 = arith.constant 2 : i32
        %mul3A_496 = arith.muli %sub3A_478, %mul3A_495 : i32
        %add3A_497 = arith.constant 1 : i32
        %add3A_498 = arith.addi %mul3A_496, %add3A_497 : i32
        %dma_start3A_499 = arith.constant 2 : i32
        %dma_start3A_500 = arith.constant 1 : i32
        %dma_start3A_501 = arith.constant 0 : i32
        %dma_start3A_502 = arith.constant 0 : i32
        %dma_start3A_503 = tpu.memref_slice %arg6[%dma_start3A_499, %dma_start3A_500, %dma_start3A_501, %dma_start3A_502] : memref<5x2x128x64xf32, #tpu.memory_space<vmem>> -> memref<1x1x128x64xf32, #tpu.memory_space<vmem>>
        %dma_start3A_504 = tpu.memref_squeeze %dma_start3A_503 : memref<1x1x128x64xf32, #tpu.memory_space<vmem>> -> memref<128x64xf32, #tpu.memory_space<vmem>>
        %dma_start3A_505 = arith.constant 0 : i32
        %dma_start3A_506 = tpu.memref_slice %arg5[%add3A_498, %dma_start3A_505] : memref<200x128xi32, #tpu.memory_space<vmem>> -> memref<1x128xi32, #tpu.memory_space<vmem>>
        %dma_start3A_507 = tpu.memref_squeeze %dma_start3A_506 : memref<1x128xi32, #tpu.memory_space<vmem>> -> memref<128xi32, #tpu.memory_space<vmem>>
        %dma_start3A_508 = arith.constant 0 : i32
        %dma_start3A_509 = arith.constant 0 : i32
        %dma_start3A_510 = tpu.memref_slice %arg3[%dma_start3A_508, %dma_start3A_509] : memref<1000000x64xf32, #tpu.memory_space<hbm>> -> memref<1000000x64xf32, #tpu.memory_space<hbm>>
        tpu.enqueue_indirect_dma source(%dma_start3A_510 : memref<1000000x64xf32, #tpu.memory_space<hbm>>) target(%dma_start3A_504 : memref<128x64xf32, #tpu.memory_space<vmem>>) offsets(%dma_start3A_507 : memref<128xi32, #tpu.memory_space<vmem>>) semaphore(%arg9 : memref<!tpu.dma_semaphore, #tpu.memory_space<semaphore_mem>>)
      } else {
      }
      %mul3A_353 = arith.constant 2 : i32
      %mul3A_354 = arith.muli %add3A_338, %mul3A_353 : i32
      %add3A_355 = arith.constant 0 : i32
      %add3A_356 = arith.addi %mul3A_354, %add3A_355 : i32
      %dma_wait3A_357 = arith.constant 3 : i32
      %dma_wait3A_358 = arith.constant 0 : i32
      %dma_wait3A_359 = arith.constant 0 : i32
      %dma_wait3A_360 = arith.constant 0 : i32
      %dma_wait3A_361 = tpu.memref_slice %arg6[%dma_wait3A_357, %dma_wait3A_358, %dma_wait3A_359, %dma_wait3A_360] : memref<5x2x128x64xf32, #tpu.memory_space<vmem>> -> memref<1x1x128x64xf32, #tpu.memory_space<vmem>>
      %dma_wait3A_362 = tpu.memref_squeeze %dma_wait3A_361 : memref<1x1x128x64xf32, #tpu.memory_space<vmem>> -> memref<128x64xf32, #tpu.memory_space<vmem>>
      %dma_wait3A_363 = arith.constant 0 : i32
      %dma_wait3A_364 = tpu.memref_slice %arg5[%add3A_356, %dma_wait3A_363] : memref<200x128xi32, #tpu.memory_space<vmem>> -> memref<1x128xi32, #tpu.memory_space<vmem>>
      %dma_wait3A_365 = tpu.memref_squeeze %dma_wait3A_364 : memref<1x128xi32, #tpu.memory_space<vmem>> -> memref<128xi32, #tpu.memory_space<vmem>>
      %dma_wait3A_366 = arith.constant 0 : i32
      %dma_wait3A_367 = arith.constant 0 : i32
      %dma_wait3A_368 = tpu.memref_slice %arg3[%dma_wait3A_366, %dma_wait3A_367] : memref<1000000x64xf32, #tpu.memory_space<hbm>> -> memref<1000000x64xf32, #tpu.memory_space<hbm>>
      tpu.wait_indirect_dma semaphore(%arg10 : memref<!tpu.dma_semaphore, #tpu.memory_space<semaphore_mem>>) src(%dma_wait3A_368 : memref<1000000x64xf32, #tpu.memory_space<hbm>>) dst(%dma_wait3A_362 : memref<128x64xf32, #tpu.memory_space<vmem>>)
      %mul3A_369 = arith.constant 2 : i32
      %mul3A_370 = arith.muli %add3A_338, %mul3A_369 : i32
      %add3A_371 = arith.constant 1 : i32
      %add3A_372 = arith.addi %mul3A_370, %add3A_371 : i32
      %dma_wait3A_373 = arith.constant 3 : i32
      %dma_wait3A_374 = arith.constant 1 : i32
      %dma_wait3A_375 = arith.constant 0 : i32
      %dma_wait3A_376 = arith.constant 0 : i32
      %dma_wait3A_377 = tpu.memref_slice %arg6[%dma_wait3A_373, %dma_wait3A_374, %dma_wait3A_375, %dma_wait3A_376] : memref<5x2x128x64xf32, #tpu.memory_space<vmem>> -> memref<1x1x128x64xf32, #tpu.memory_space<vmem>>
      %dma_wait3A_378 = tpu.memref_squeeze %dma_wait3A_377 : memref<1x1x128x64xf32, #tpu.memory_space<vmem>> -> memref<128x64xf32, #tpu.memory_space<vmem>>
      %dma_wait3A_379 = arith.constant 0 : i32
      %dma_wait3A_380 = tpu.memref_slice %arg5[%add3A_372, %dma_wait3A_379] : memref<200x128xi32, #tpu.memory_space<vmem>> -> memref<1x128xi32, #tpu.memory_space<vmem>>
      %dma_wait3A_381 = tpu.memref_squeeze %dma_wait3A_380 : memref<1x128xi32, #tpu.memory_space<vmem>> -> memref<128xi32, #tpu.memory_space<vmem>>
      %dma_wait3A_382 = arith.constant 0 : i32
      %dma_wait3A_383 = arith.constant 0 : i32
      %dma_wait3A_384 = tpu.memref_slice %arg3[%dma_wait3A_382, %dma_wait3A_383] : memref<1000000x64xf32, #tpu.memory_space<hbm>> -> memref<1000000x64xf32, #tpu.memory_space<hbm>>
      tpu.wait_indirect_dma semaphore(%arg10 : memref<!tpu.dma_semaphore, #tpu.memory_space<semaphore_mem>>) src(%dma_wait3A_384 : memref<1000000x64xf32, #tpu.memory_space<hbm>>) dst(%dma_wait3A_378 : memref<128x64xf32, #tpu.memory_space<vmem>>)
      %mul3A_385 = arith.constant 2 : i32
      %mul3A_386 = arith.muli %add3A_338, %mul3A_385 : i32
      %add3A_387 = arith.addi %mul3A_2, %mul3A_386 : i32
      %dma_start3A_388 = arith.constant 3 : i32
      %dma_start3A_389 = arith.constant 0 : i32
      %dma_start3A_390 = arith.constant 0 : i32
      %dma_start3A_391 = arith.constant 0 : i32
      %dma_start3A_392 = tpu.memref_slice %arg6[%dma_start3A_388, %dma_start3A_389, %dma_start3A_390, %dma_start3A_391] : memref<5x2x128x64xf32, #tpu.memory_space<vmem>> -> memref<1x2x128x64xf32, #tpu.memory_space<vmem>>
      %dma_start3A_393 = tpu.memref_squeeze %dma_start3A_392 : memref<1x2x128x64xf32, #tpu.memory_space<vmem>> -> memref<2x128x64xf32, #tpu.memory_space<vmem>>
      %dma_start3A_394 = arith.constant 0 : i32
      %dma_start3A_395 = arith.constant 0 : i32
      %dma_start3A_396 = tpu.memref_slice %arg4[%add3A_387, %dma_start3A_394, %dma_start3A_395] : memref<6400x128x64xf32, #tpu.memory_space<hbm>> -> memref<2x128x64xf32, #tpu.memory_space<hbm>>
      %dma_start3A_397 = arith.constant 0 : i32
      %dma_start3A_398 = arith.constant 0 : i32
      %dma_start3A_399 = tpu.memref_slice %arg4[%add3A_387, %dma_start3A_397, %dma_start3A_398] : memref<6400x128x64xf32, #tpu.memory_space<hbm>> -> memref<2x128x64xf32, #tpu.memory_space<hbm>>
      %dma_start3A_400 = arith.constant 0 : i32
      %dma_start3A_401 = arith.constant 0 : i32
      %dma_start3A_402 = arith.constant 0 : i32
      %dma_start3A_403 = tpu.memref_slice %arg6[%dma_start3A_388, %dma_start3A_400, %dma_start3A_401, %dma_start3A_402] : memref<5x2x128x64xf32, #tpu.memory_space<vmem>> -> memref<1x2x128x64xf32, #tpu.memory_space<vmem>>
      %dma_start3A_404 = tpu.memref_squeeze %dma_start3A_403 : memref<1x2x128x64xf32, #tpu.memory_space<vmem>> -> memref<2x128x64xf32, #tpu.memory_space<vmem>>
      tpu.enqueue_dma source(%dma_start3A_404 : memref<2x128x64xf32, #tpu.memory_space<vmem>>) target(%dma_start3A_399 : memref<2x128x64xf32, #tpu.memory_space<hbm>>) target_semaphore(%arg15 : memref<!tpu.dma_semaphore, #tpu.memory_space<semaphore_mem>>)
      %mul3A_405 = arith.constant 5 : i32
      %mul3A_406 = arith.muli %scan3A_129, %mul3A_405 : i32
      %add3A_407 = arith.constant 4 : i32
      %add3A_408 = arith.addi %mul3A_406, %add3A_407 : i32
      %gt3A_409 = arith.constant 0 : i32
      %gt3A_410 = arith.cmpi sgt, %add3A_408, %gt3A_409 : i32
      %convert_element_type3A_411 = arith.extui %gt3A_410 : i1 to i32
      %cond3A_412 = arith.constant 0 : i32
      %cond3A_413 = arith.cmpi ne, %convert_element_type3A_411, %cond3A_412 : i32
      scf.if %cond3A_413 {
        %sub3A_475 = arith.constant 1 : i32
        %sub3A_476 = arith.subi %add3A_408, %sub3A_475 : i32
        %mul3A_477 = arith.constant 2 : i32
        %mul3A_478 = arith.muli %sub3A_476, %mul3A_477 : i32
        %add3A_479 = arith.addi %mul3A_2, %mul3A_478 : i32
        %dma_wait3A_480 = arith.constant 3 : i32
        %dma_wait3A_481 = arith.constant 0 : i32
        %dma_wait3A_482 = arith.constant 0 : i32
        %dma_wait3A_483 = arith.constant 0 : i32
        %dma_wait3A_484 = tpu.memref_slice %arg6[%dma_wait3A_480, %dma_wait3A_481, %dma_wait3A_482, %dma_wait3A_483] : memref<5x2x128x64xf32, #tpu.memory_space<vmem>> -> memref<1x2x128x64xf32, #tpu.memory_space<vmem>>
        %dma_wait3A_485 = tpu.memref_squeeze %dma_wait3A_484 : memref<1x2x128x64xf32, #tpu.memory_space<vmem>> -> memref<2x128x64xf32, #tpu.memory_space<vmem>>
        %dma_wait3A_486 = arith.constant 0 : i32
        %dma_wait3A_487 = arith.constant 0 : i32
        %dma_wait3A_488 = tpu.memref_slice %arg4[%add3A_479, %dma_wait3A_486, %dma_wait3A_487] : memref<6400x128x64xf32, #tpu.memory_space<hbm>> -> memref<2x128x64xf32, #tpu.memory_space<hbm>>
        %dma_wait3A_489 = arith.constant 0 : i32
        %dma_wait3A_490 = arith.constant 0 : i32
        %dma_wait3A_491 = tpu.memref_slice %arg4[%add3A_479, %dma_wait3A_489, %dma_wait3A_490] : memref<6400x128x64xf32, #tpu.memory_space<hbm>> -> memref<2x128x64xf32, #tpu.memory_space<hbm>>
        %dma_wait3A_492 = arith.constant 0 : i32
        %dma_wait3A_493 = arith.constant 0 : i32
        %dma_wait3A_494 = arith.constant 0 : i32
        %dma_wait3A_495 = tpu.memref_slice %arg6[%dma_wait3A_480, %dma_wait3A_492, %dma_wait3A_493, %dma_wait3A_494] : memref<5x2x128x64xf32, #tpu.memory_space<vmem>> -> memref<1x2x128x64xf32, #tpu.memory_space<vmem>>
        %dma_wait3A_496 = tpu.memref_squeeze %dma_wait3A_495 : memref<1x2x128x64xf32, #tpu.memory_space<vmem>> -> memref<2x128x64xf32, #tpu.memory_space<vmem>>
        tpu.wait_dma2 semaphore(%arg15 : memref<!tpu.dma_semaphore, #tpu.memory_space<semaphore_mem>>) src(%dma_wait3A_496 : memref<2x128x64xf32, #tpu.memory_space<vmem>>) dst(%dma_wait3A_491 : memref<2x128x64xf32, #tpu.memory_space<hbm>>)
      } else {
      }
      %add3A_414 = arith.constant 5 : i32
      %add3A_415 = arith.addi %add3A_408, %add3A_414 : i32
      %sub3A_416 = arith.constant 1 : i32
      %sub3A_417 = arith.subi %add3A_415, %sub3A_416 : i32
      %lt3A_418 = arith.constant 100 : i32
      %lt3A_419 = arith.cmpi slt, %sub3A_417, %lt3A_418 : i32
      %convert_element_type3A_420 = arith.extui %lt3A_419 : i1 to i32
      %cond3A_421 = arith.constant 0 : i32
      %cond3A_422 = arith.cmpi ne, %convert_element_type3A_420, %cond3A_421 : i32
      scf.if %cond3A_422 {
        %add3A_475 = arith.constant 5 : i32
        %add3A_476 = arith.addi %add3A_408, %add3A_475 : i32
        %sub3A_477 = arith.constant 1 : i32
        %sub3A_478 = arith.subi %add3A_476, %sub3A_477 : i32
        %mul3A_479 = arith.constant 2 : i32
        %mul3A_480 = arith.muli %sub3A_478, %mul3A_479 : i32
        %add3A_481 = arith.constant 0 : i32
        %add3A_482 = arith.addi %mul3A_480, %add3A_481 : i32
        %dma_start3A_483 = arith.constant 3 : i32
        %dma_start3A_484 = arith.constant 0 : i32
        %dma_start3A_485 = arith.constant 0 : i32
        %dma_start3A_486 = arith.constant 0 : i32
        %dma_start3A_487 = tpu.memref_slice %arg6[%dma_start3A_483, %dma_start3A_484, %dma_start3A_485, %dma_start3A_486] : memref<5x2x128x64xf32, #tpu.memory_space<vmem>> -> memref<1x1x128x64xf32, #tpu.memory_space<vmem>>
        %dma_start3A_488 = tpu.memref_squeeze %dma_start3A_487 : memref<1x1x128x64xf32, #tpu.memory_space<vmem>> -> memref<128x64xf32, #tpu.memory_space<vmem>>
        %dma_start3A_489 = arith.constant 0 : i32
        %dma_start3A_490 = tpu.memref_slice %arg5[%add3A_482, %dma_start3A_489] : memref<200x128xi32, #tpu.memory_space<vmem>> -> memref<1x128xi32, #tpu.memory_space<vmem>>
        %dma_start3A_491 = tpu.memref_squeeze %dma_start3A_490 : memref<1x128xi32, #tpu.memory_space<vmem>> -> memref<128xi32, #tpu.memory_space<vmem>>
        %dma_start3A_492 = arith.constant 0 : i32
        %dma_start3A_493 = arith.constant 0 : i32
        %dma_start3A_494 = tpu.memref_slice %arg3[%dma_start3A_492, %dma_start3A_493] : memref<1000000x64xf32, #tpu.memory_space<hbm>> -> memref<1000000x64xf32, #tpu.memory_space<hbm>>
        tpu.enqueue_indirect_dma source(%dma_start3A_494 : memref<1000000x64xf32, #tpu.memory_space<hbm>>) target(%dma_start3A_488 : memref<128x64xf32, #tpu.memory_space<vmem>>) offsets(%dma_start3A_491 : memref<128xi32, #tpu.memory_space<vmem>>) semaphore(%arg10 : memref<!tpu.dma_semaphore, #tpu.memory_space<semaphore_mem>>)
        %mul3A_495 = arith.constant 2 : i32
        %mul3A_496 = arith.muli %sub3A_478, %mul3A_495 : i32
        %add3A_497 = arith.constant 1 : i32
        %add3A_498 = arith.addi %mul3A_496, %add3A_497 : i32
        %dma_start3A_499 = arith.constant 3 : i32
        %dma_start3A_500 = arith.constant 1 : i32
        %dma_start3A_501 = arith.constant 0 : i32
        %dma_start3A_502 = arith.constant 0 : i32
        %dma_start3A_503 = tpu.memref_slice %arg6[%dma_start3A_499, %dma_start3A_500, %dma_start3A_501, %dma_start3A_502] : memref<5x2x128x64xf32, #tpu.memory_space<vmem>> -> memref<1x1x128x64xf32, #tpu.memory_space<vmem>>
        %dma_start3A_504 = tpu.memref_squeeze %dma_start3A_503 : memref<1x1x128x64xf32, #tpu.memory_space<vmem>> -> memref<128x64xf32, #tpu.memory_space<vmem>>
        %dma_start3A_505 = arith.constant 0 : i32
        %dma_start3A_506 = tpu.memref_slice %arg5[%add3A_498, %dma_start3A_505] : memref<200x128xi32, #tpu.memory_space<vmem>> -> memref<1x128xi32, #tpu.memory_space<vmem>>
        %dma_start3A_507 = tpu.memref_squeeze %dma_start3A_506 : memref<1x128xi32, #tpu.memory_space<vmem>> -> memref<128xi32, #tpu.memory_space<vmem>>
        %dma_start3A_508 = arith.constant 0 : i32
        %dma_start3A_509 = arith.constant 0 : i32
        %dma_start3A_510 = tpu.memref_slice %arg3[%dma_start3A_508, %dma_start3A_509] : memref<1000000x64xf32, #tpu.memory_space<hbm>> -> memref<1000000x64xf32, #tpu.memory_space<hbm>>
        tpu.enqueue_indirect_dma source(%dma_start3A_510 : memref<1000000x64xf32, #tpu.memory_space<hbm>>) target(%dma_start3A_504 : memref<128x64xf32, #tpu.memory_space<vmem>>) offsets(%dma_start3A_507 : memref<128xi32, #tpu.memory_space<vmem>>) semaphore(%arg10 : memref<!tpu.dma_semaphore, #tpu.memory_space<semaphore_mem>>)
      } else {
      }
      %mul3A_423 = arith.constant 2 : i32
      %mul3A_424 = arith.muli %add3A_408, %mul3A_423 : i32
      %add3A_425 = arith.constant 0 : i32
      %add3A_426 = arith.addi %mul3A_424, %add3A_425 : i32
      %dma_wait3A_427 = arith.constant 4 : i32
      %dma_wait3A_428 = arith.constant 0 : i32
      %dma_wait3A_429 = arith.constant 0 : i32
      %dma_wait3A_430 = arith.constant 0 : i32
      %dma_wait3A_431 = tpu.memref_slice %arg6[%dma_wait3A_427, %dma_wait3A_428, %dma_wait3A_429, %dma_wait3A_430] : memref<5x2x128x64xf32, #tpu.memory_space<vmem>> -> memref<1x1x128x64xf32, #tpu.memory_space<vmem>>
      %dma_wait3A_432 = tpu.memref_squeeze %dma_wait3A_431 : memref<1x1x128x64xf32, #tpu.memory_space<vmem>> -> memref<128x64xf32, #tpu.memory_space<vmem>>
      %dma_wait3A_433 = arith.constant 0 : i32
      %dma_wait3A_434 = tpu.memref_slice %arg5[%add3A_426, %dma_wait3A_433] : memref<200x128xi32, #tpu.memory_space<vmem>> -> memref<1x128xi32, #tpu.memory_space<vmem>>
      %dma_wait3A_435 = tpu.memref_squeeze %dma_wait3A_434 : memref<1x128xi32, #tpu.memory_space<vmem>> -> memref<128xi32, #tpu.memory_space<vmem>>
      %dma_wait3A_436 = arith.constant 0 : i32
      %dma_wait3A_437 = arith.constant 0 : i32
      %dma_wait3A_438 = tpu.memref_slice %arg3[%dma_wait3A_436, %dma_wait3A_437] : memref<1000000x64xf32, #tpu.memory_space<hbm>> -> memref<1000000x64xf32, #tpu.memory_space<hbm>>
      tpu.wait_indirect_dma semaphore(%arg11 : memref<!tpu.dma_semaphore, #tpu.memory_space<semaphore_mem>>) src(%dma_wait3A_438 : memref<1000000x64xf32, #tpu.memory_space<hbm>>) dst(%dma_wait3A_432 : memref<128x64xf32, #tpu.memory_space<vmem>>)
      %mul3A_439 = arith.constant 2 : i32
      %mul3A_440 = arith.muli %add3A_408, %mul3A_439 : i32
      %add3A_441 = arith.constant 1 : i32
      %add3A_442 = arith.addi %mul3A_440, %add3A_441 : i32
      %dma_wait3A_443 = arith.constant 4 : i32
      %dma_wait3A_444 = arith.constant 1 : i32
      %dma_wait3A_445 = arith.constant 0 : i32
      %dma_wait3A_446 = arith.constant 0 : i32
      %dma_wait3A_447 = tpu.memref_slice %arg6[%dma_wait3A_443, %dma_wait3A_444, %dma_wait3A_445, %dma_wait3A_446] : memref<5x2x128x64xf32, #tpu.memory_space<vmem>> -> memref<1x1x128x64xf32, #tpu.memory_space<vmem>>
      %dma_wait3A_448 = tpu.memref_squeeze %dma_wait3A_447 : memref<1x1x128x64xf32, #tpu.memory_space<vmem>> -> memref<128x64xf32, #tpu.memory_space<vmem>>
      %dma_wait3A_449 = arith.constant 0 : i32
      %dma_wait3A_450 = tpu.memref_slice %arg5[%add3A_442, %dma_wait3A_449] : memref<200x128xi32, #tpu.memory_space<vmem>> -> memref<1x128xi32, #tpu.memory_space<vmem>>
      %dma_wait3A_451 = tpu.memref_squeeze %dma_wait3A_450 : memref<1x128xi32, #tpu.memory_space<vmem>> -> memref<128xi32, #tpu.memory_space<vmem>>
      %dma_wait3A_452 = arith.constant 0 : i32
      %dma_wait3A_453 = arith.constant 0 : i32
      %dma_wait3A_454 = tpu.memref_slice %arg3[%dma_wait3A_452, %dma_wait3A_453] : memref<1000000x64xf32, #tpu.memory_space<hbm>> -> memref<1000000x64xf32, #tpu.memory_space<hbm>>
      tpu.wait_indirect_dma semaphore(%arg11 : memref<!tpu.dma_semaphore, #tpu.memory_space<semaphore_mem>>) src(%dma_wait3A_454 : memref<1000000x64xf32, #tpu.memory_space<hbm>>) dst(%dma_wait3A_448 : memref<128x64xf32, #tpu.memory_space<vmem>>)
      %mul3A_455 = arith.constant 2 : i32
      %mul3A_456 = arith.muli %add3A_408, %mul3A_455 : i32
      %add3A_457 = arith.addi %mul3A_2, %mul3A_456 : i32
      %dma_start3A_458 = arith.constant 4 : i32
      %dma_start3A_459 = arith.constant 0 : i32
      %dma_start3A_460 = arith.constant 0 : i32
      %dma_start3A_461 = arith.constant 0 : i32
      %dma_start3A_462 = tpu.memref_slice %arg6[%dma_start3A_458, %dma_start3A_459, %dma_start3A_460, %dma_start3A_461] : memref<5x2x128x64xf32, #tpu.memory_space<vmem>> -> memref<1x2x128x64xf32, #tpu.memory_space<vmem>>
      %dma_start3A_463 = tpu.memref_squeeze %dma_start3A_462 : memref<1x2x128x64xf32, #tpu.memory_space<vmem>> -> memref<2x128x64xf32, #tpu.memory_space<vmem>>
      %dma_start3A_464 = arith.constant 0 : i32
      %dma_start3A_465 = arith.constant 0 : i32
      %dma_start3A_466 = tpu.memref_slice %arg4[%add3A_457, %dma_start3A_464, %dma_start3A_465] : memref<6400x128x64xf32, #tpu.memory_space<hbm>> -> memref<2x128x64xf32, #tpu.memory_space<hbm>>
      %dma_start3A_467 = arith.constant 0 : i32
      %dma_start3A_468 = arith.constant 0 : i32
      %dma_start3A_469 = tpu.memref_slice %arg4[%add3A_457, %dma_start3A_467, %dma_start3A_468] : memref<6400x128x64xf32, #tpu.memory_space<hbm>> -> memref<2x128x64xf32, #tpu.memory_space<hbm>>
      %dma_start3A_470 = arith.constant 0 : i32
      %dma_start3A_471 = arith.constant 0 : i32
      %dma_start3A_472 = arith.constant 0 : i32
      %dma_start3A_473 = tpu.memref_slice %arg6[%dma_start3A_458, %dma_start3A_470, %dma_start3A_471, %dma_start3A_472] : memref<5x2x128x64xf32, #tpu.memory_space<vmem>> -> memref<1x2x128x64xf32, #tpu.memory_space<vmem>>
      %dma_start3A_474 = tpu.memref_squeeze %dma_start3A_473 : memref<1x2x128x64xf32, #tpu.memory_space<vmem>> -> memref<2x128x64xf32, #tpu.memory_space<vmem>>
      tpu.enqueue_dma source(%dma_start3A_474 : memref<2x128x64xf32, #tpu.memory_space<vmem>>) target(%dma_start3A_469 : memref<2x128x64xf32, #tpu.memory_space<hbm>>) target_semaphore(%arg16 : memref<!tpu.dma_semaphore, #tpu.memory_space<semaphore_mem>>)
    }
    %scan3A_110 = arith.constant 20 : i32
    %add3A_111 = arith.constant 198 : i32
    %add3A_112 = arith.addi %mul3A_2, %add3A_111 : i32
    %dma_wait3A = arith.constant 4 : i32
    %dma_wait3A_113 = arith.constant 0 : i32
    %dma_wait3A_114 = arith.constant 0 : i32
    %dma_wait3A_115 = arith.constant 0 : i32
    %dma_wait3A_116 = tpu.memref_slice %arg6[%dma_wait3A, %dma_wait3A_113, %dma_wait3A_114, %dma_wait3A_115] : memref<5x2x128x64xf32, #tpu.memory_space<vmem>> -> memref<1x2x128x64xf32, #tpu.memory_space<vmem>>
    %dma_wait3A_117 = tpu.memref_squeeze %dma_wait3A_116 : memref<1x2x128x64xf32, #tpu.memory_space<vmem>> -> memref<2x128x64xf32, #tpu.memory_space<vmem>>
    %dma_wait3A_118 = arith.constant 0 : i32
    %dma_wait3A_119 = arith.constant 0 : i32
    %dma_wait3A_120 = tpu.memref_slice %arg4[%add3A_112, %dma_wait3A_118, %dma_wait3A_119] : memref<6400x128x64xf32, #tpu.memory_space<hbm>> -> memref<2x128x64xf32, #tpu.memory_space<hbm>>
    %dma_wait3A_121 = arith.constant 0 : i32
    %dma_wait3A_122 = arith.constant 0 : i32
    %dma_wait3A_123 = tpu.memref_slice %arg4[%add3A_112, %dma_wait3A_121, %dma_wait3A_122] : memref<6400x128x64xf32, #tpu.memory_space<hbm>> -> memref<2x128x64xf32, #tpu.memory_space<hbm>>
    %dma_wait3A_124 = arith.constant 0 : i32
    %dma_wait3A_125 = arith.constant 0 : i32
    %dma_wait3A_126 = arith.constant 0 : i32
    %dma_wait3A_127 = tpu.memref_slice %arg6[%dma_wait3A, %dma_wait3A_124, %dma_wait3A_125, %dma_wait3A_126] : memref<5x2x128x64xf32, #tpu.memory_space<vmem>> -> memref<1x2x128x64xf32, #tpu.memory_space<vmem>>
    %dma_wait3A_128 = tpu.memref_squeeze %dma_wait3A_127 : memref<1x2x128x64xf32, #tpu.memory_space<vmem>> -> memref<2x128x64xf32, #tpu.memory_space<vmem>>
    tpu.wait_dma2 semaphore(%arg16 : memref<!tpu.dma_semaphore, #tpu.memory_space<semaphore_mem>>) src(%dma_wait3A_128 : memref<2x128x64xf32, #tpu.memory_space<vmem>>) dst(%dma_wait3A_123 : memref<2x128x64xf32, #tpu.memory_space<hbm>>)
    return
  }
}

</mosaic_0001>

<sc_bundles>
// kernel: kernel.3.cloned.1.call-start
scs
__scs_entry_jumppad:
0x0: {  	(pc) =	sbr.rel $0x88, $3  }
0x1: {  	(tag) =	ssettag $0x0;
	lr =	simm.s32 $0x1  }
0x2: {  	[smem:$0x3F9F] =	sst lr;
	_ =	strace $0xD0000000  }
0x3: {  	_ = 	snop  }
0x4: {  	_ = 	snop  }
0x5: {  	_ = 	snop  }
0x6: {  	_ = 	snop  }
0x7: {  	_ = 	snop  }
__scs_overlays_trampoline_lowered:
0x8: {  	[smem:$0x3FAE] =	sst s0  }
0x9: {  	[smem:$0x3FAF] =	sst s1  }
0xa: {  	[smem:$0x3FB0] =	sst s2  }
0xb: {  	[smem:$0x3FB1] =	sst s3  }
0xc: {  	[smem:$0x3FB2] =	sst s4  }
0xd: {  	[smem:$0x3FB3] =	sst s5  }
0xe: {  	[smem:$0x3FB4] =	sst s6  }
0xf: {  	[smem:$0x3FB5] =	sst s7  }
0x10: {  	[smem:$0x3FB6] =	sst s8  }
0x11: {  	[smem:$0x3FB7] =	sst s9;
	s0 =	simm.s32 @!p0 $0x0  }
0x12: {  	s1 =	sld [smem:$0x3F9D];
	s0 =	simm.s32 @p0 $0x1  }
0x13: {  	[smem:$0x3FB8] =	sst s0;
	s0 =	simm.s32 @!p1 $0x0  }
0x14: {  	s2 =	sld [smem:$0x3F9C];
	s0 =	simm.s32 @p1 $0x1  }
0x15: {  	[smem:$0x3FB9] =	sst s0;
	s0 =	simm.s32 @!p2 $0x0  }
0x16: {  	s3 =	sld [smem:$0x3FDB];
	s0 =	simm.s32 @p2 $0x1  }
0x17: {  	s4 =	simm.s32 $0x1BF5;
	[smem:$0x3FBB] =	sst s0  }
0x18: {  	s0 =	sld [smem:$0x3F9E];
	_ =	swait.ge [sflag:s4], $0x0  }
0x19: {  	s7 =	sld [smem:$0x3F9F]  }
0x1a: {  	s8 =	sadd.s32 $0xFFFFE003, lr  }
0x1b: {  	s9 =	sadd.s32 $0xFFFFFEF7, lr;
	s5 =	simm.s32 $0xFFFFFFFF;
	p2 =	slt.u32 s8, $0xFFFFF086  }
0x1c: {  	p1 =	slt.u32 s9, $0xF7A;
	s5 =	simm.s32 @!p2 $0x0  }
0x1d: {  	s5 =	simm.s32 @p1 $0x1;
	p0 =	seq.s32 s7, s2  }
0x1e: {  	s7 =	smul.u32 @!p0 $0xF7A, s2;
	p2 =	seq.s32 @!p0 s5, $0x0  }
0x1f: {  	s9 =	smul.u32 $0xF7A, s1;
	s8 =	simm.s32 @!p0 $0x1BF5;
	p2 =	por !p2, p0  }
0x20: {  	[sflag:s8] =	ssyncset.s32 @!p0 $0xFFFFF086;
	s6 =	sadd.s32 @!p0 s3, s7;
	s7 =	simm.s32 @!p0 $0x108  }
0x21: {  	s3 =	sadd.s32 s3, s9;
	s6 =	sadd.s32 @!p0 $0x88, s6;
	s7 =	simm.s32 @p2 $0x1082  }
0x22: {  	[simem:s7], [sflag:s8] =	dma.local @!p0 [hbm:s6], $0xF7A  }
0x23: {  	s9 =	sor.u32 $0xD0000000, s2;
	s6 =	simm.s32 $0x108;
	_ =	swait.ge @!p0 [sflag:s8], $0x0  }
0x24: {  	s3 =	sadd.s32 $0x88, s3;
	s6 =	simm.s32 @!p1 $0x1082;
	[sflag:s4] =	ssyncset.s32 $0xFFFFF086  }
0x25: {  	[simem:s6], [sflag:s4] =	dma.local [hbm:s3], $0xF7A  }
0x26: {  	[smem:$0x3F9F] =	sst s1;
	(tag) =	ssettag s2;
	_ =	strace s9  }
0x27: {  	s1 =	sld [smem:$0x3FAF]  }
0x28: {  	s2 =	sld [smem:$0x3FB0]  }
0x29: {  	s4 =	sld [smem:$0x3FB2]  }
0x2a: {  	p0 =	seq.s32 s5, $0x0;
	s5 =	sld [smem:$0x3FB3]  }
0x2b: {  	s6 =	sld [smem:$0x3FB4]  }
0x2c: {  	s7 =	sld [smem:$0x3FB5]  }
0x2d: {  	s3 =	simm.s32 $0x108;
	s8 =	sld [smem:$0x3FB6]  }
0x2e: {  	s3 =	simm.s32 @!p0 $0x1082;
	s9 =	sld [smem:$0x3FB7]  }
0x2f: {  	lr =	sadd.s32 s0, s3;
	s0 =	sld [smem:$0x3FAE]  }
0x30: {  	s3 =	sld [smem:$0x3FB1]  }
0x31: {  	[smem:$0x3FBA] =	sst s10  }
0x32: {  	s10 =	sld [smem:$0x3FB8];
	_ =	sdelay $0x3  }
0x33: {  	p0 =	seq.s32 s10, $0x1;
	s10 =	sld [smem:$0x3FBA];
	_ =	sdelay $0x3  }
0x34: {  	[smem:$0x3FBA] =	sst s10  }
0x35: {  	s10 =	sld [smem:$0x3FB9];
	_ =	sdelay $0x3  }
0x36: {  	p1 =	seq.s32 s10, $0x1;
	s10 =	sld [smem:$0x3FBA];
	_ =	sdelay $0x3  }
0x37: {  	[smem:$0x3FBA] =	sst s10  }
0x38: {  	s10 =	sld [smem:$0x3FBB]  }
0x39: {  	_ = 	snop;
	(pc) =	sbr.ind lr, $3  }
0x3a: {  	_ = 	snop  }
0x3b: {  	_ = 	snop  }
0x3c: {  	p2 =	seq.s32 s10, $0x1;
	s10 =	sld [smem:$0x3FBA]  }
0x3d: {  	_ =	shalt  }
0x3e: {  	_ =	shalt  }
0x3f: {  	_ =	shalt  }
0x40: {  	_ =	shalt  }
0x41: {  	_ =	shalt  }
0x42: {  	_ =	shalt  }
0x43: {  	_ =	shalt  }
0x44: {  	_ =	shalt  }
0x45: {  	_ =	shalt  }
0x46: {  	_ =	shalt  }
0x47: {  	_ =	shalt  }
0x48: {  	_ =	shalt  }
0x49: {  	_ =	shalt  }
0x4a: {  	_ =	shalt  }
0x4b: {  	_ =	shalt  }
0x4c: {  	_ =	shalt  }
0x4d: {  	_ =	shalt  }
0x4e: {  	_ =	shalt  }
0x4f: {  	_ =	shalt  }
0x50: {  	_ =	shalt  }
0x51: {  	_ =	shalt  }
0x52: {  	_ =	shalt  }
0x53: {  	_ =	shalt  }
0x54: {  	_ =	shalt  }
0x55: {  	_ =	shalt  }
0x56: {  	_ =	shalt  }
0x57: {  	_ =	shalt  }
0x58: {  	_ =	shalt  }
0x59: {  	_ =	shalt  }
0x5a: {  	_ =	shalt  }
0x5b: {  	_ =	shalt  }
0x5c: {  	_ =	shalt  }
0x5d: {  	_ =	shalt  }
0x5e: {  	_ =	shalt  }
0x5f: {  	_ =	shalt  }
0x60: {  	_ =	shalt  }
0x61: {  	_ =	shalt  }
0x62: {  	_ =	shalt  }
0x63: {  	_ =	shalt  }
0x64: {  	_ =	shalt  }
0x65: {  	_ =	shalt  }
0x66: {  	_ =	shalt  }
0x67: {  	_ =	shalt  }
0x68: {  	_ =	shalt  }
0x69: {  	_ =	shalt  }
0x6a: {  	_ =	shalt  }
0x6b: {  	_ =	shalt  }
0x6c: {  	_ =	shalt  }
0x6d: {  	_ =	shalt  }
0x6e: {  	_ =	shalt  }
0x6f: {  	_ =	shalt  }
0x70: {  	_ =	shalt  }
0x71: {  	_ =	shalt  }
0x72: {  	_ =	shalt  }
0x73: {  	_ =	shalt  }
0x74: {  	_ =	shalt  }
0x75: {  	_ =	shalt  }
0x76: {  	_ =	shalt  }
0x77: {  	_ =	shalt  }
0x78: {  	_ =	shalt  }
0x79: {  	_ =	shalt  }
0x7a: {  	_ =	shalt  }
0x7b: {  	_ =	shalt  }
0x7c: {  	_ =	shalt  }
0x7d: {  	_ =	shalt  }
0x7e: {  	_ =	shalt  }
0x7f: {  	_ =	shalt  }
0x80: {  	_ =	shalt  }
0x81: {  	_ =	shalt  }
0x82: {  	_ =	shalt  }
0x83: {  	_ =	shalt  }
0x84: {  	_ =	shalt  }
0x85: {  	_ =	shalt  }
0x86: {  	_ =	shalt  }
0x87: {  	_ =	shalt  }
.Lfunc_end0:
.L_simem_size_0:
called_computation.1_lowered:
.L_overlay_start_0:
0x88: {  	s2 =	sld [smem:$0x3FD9]  }
0x89: {  	s3 =	sld [smem:$0x3FFE];
	_ =	sdelay $0x1  }
0x8a: {  	s1 =	srdreg.scid  }
0x8b: {  	s0 =	sand.u32 $0x1, s1  }
0x8c: {  	s17 =	sshll.u32 s0, $0xA;
	s2 =	sadd.s32 s3, s2  }
0x8d: {  	s2 =	sadd.s32 s2, s17  }
0x8e: {  	[smem:$0x3FC6] =	sst s2  }
0x8f: {  	_ = 	snop  }
0x90: {  	s2 =	sld [smem:$0x3FD0];
	(tm) =	ssettm $0x1  }
0x91: {  	s18 =	sld [smem:$0x3FFB];
	_ =	sdelay $0x3  }
0x92: {  	_ =	strace s18  }
0x93: {  	s3 =	sld [smem:$0x3FFC];
	_ =	sdelay $0x3  }
0x94: {  	_ =	strace s3  }
0x95: {  	s3 =	sld [smem:$0x3FFD];
	_ =	sdelay $0x3  }
0x96: {  	_ =	strace s3  }
0x97: {  	_ =	strace $0x8FFFFFFF  }
0x98: {  	s19 =	sld [smem:$0x3FDB];
	_ =	sdelay $0x1  }
0x99: {  	s4 =	simm.s32 $_scs_section_size  }
0x9a: {  	s5 =	simm.s32 $_size__tile_overlayer_lowered;
	s6 =	simm.s32 $_tile_overlayer_lowered  }
0x9b: {  	s22 =	simm.s32 $0x1BFF;
	s21 =	sshll.u32 s6, $0x1;
	s3 =	sadd.s32 s4, s19  }
0x9c: {  	s7 =	simm.s32 $0x0;
	s20 =	sshll.u32 s5, $0x1;
	s5 =	sadd.s32 s21, s3  }
0x9d: {  	[timem:s7], [sflag:s22] =	dma.local [hbm:s5], s20  }
0x9e: {  	_ =	swait.ge [sflag:s22], s20  }
0x9f: {  	s4 =	ssub.s32 $0x0, s20;
	[sflag:s22] =	ssyncset.done $0x0  }
0xa0: {  	[sflag:s22] =	ssyncadd.s32 s4;
	_ =	sdelay $0x1  }
0xa1: {  	s23 =	simm.s32 $0x1B8B  }
0xa2: {  	_ =	swait.ge [sflag:s23], $0x1  }
0xa3: {  	[sflag:s23] =	ssyncset.done $0x0  }
0xa4: {  	s25 =	simm.s32 $0x1B8E;
	s24 =	sld [smem:$0x3FFE];
	[sflag:s23] =	ssyncadd.s32 $0xFFFFFFFF  }
0xa5: {  	s26 =	simm.s32 $execute0_lowered;
	[smem:$0x3FD2] =	sst s25  }
0xa6: {  	s5 =	sshll.u32 s26, $0x1;
	_ =	strace $0x80000046;
	[dreg:$0x1] =	wrdreg $0xFFFFFFFF  }
0xa7: {  	s28 =	simm.s32 $_size_execute0_lowered;
	s3 =	sadd.s32 s3, s5;
	[dreg:$0x0] =	wrdreg $0x0  }
0xa8: {  	s5 =	sshll.u32 s28, $0x1;
	[dreg:$0x2] =	wrdreg s3  }
0xa9: {  	[dreg:$0x3] =	wrdreg s5  }
0xaa: {  	[dreg:$0x4] =	wrdreg $0xC0  }
0xab: {  	_ =	task [dreg:s7], $0x5FFFF  }
0xac: {  	[dreg:$0x1] =	wrdreg $0xFFFFFFFF  }
0xad: {  	[dreg:$0x0] =	wrdreg $0x60  }
0xae: {  	[dreg:$0x2] =	wrdreg s24  }
0xaf: {  	[dreg:$0x3] =	wrdreg s2  }
0xb0: {  	[dreg:$0x4] =	wrdreg $0x9  }
0xb1: {  	_ =	task.clear_ibuf [dreg:s7], $0x5FFFF;
	_ =	strace $0x90000046  }
0xb2: {  	s29 =	simm.s32 $0x9;
	_ =	strace $0x80000048  }
0xb3: {  	_ =	swait.ge [sflag:s29], $0x1  }
0xb4: {  	[sflag:s29] =	ssyncadd.s32 $0xFFFFFFFF  }
0xb5: {  	_ =	strace $0x90000048  }
0xb6: {  	_ =	sfence  }
0xb7: {  	s30 =	sld [smem:$0x0];
	_ =	sdelay $0x2  }
0xb8: {  	s31 =	sshll.u32 s1, $0xD;
	s1 =	sshrl.u32 s1, $0x2  }
0xb9: {  	s3 =	sand.u32 $0x4000, s31;
	s1 =	sadd.s32 s1, s30  }
0xba: {  	s0 =	sor.u32 s3, s0;
	s1 =	sshll.u32 s1, $0x11  }
0xbb: {  	s0 =	sor.u32 s1, s0  }
0xbc: {  	s0 =	sadd.s32 $0x8F2B, s0  }
0xbd: {  	[sflag:s0] =	ssyncadd.remote.s32 $0x1  }
0xbe: {  	_ =	sfence.sel $0xFFFF  }
0xbf: {  	[dreg:$0x0] =	wrdreg $0xFFFFFFFF;
	(pc) =	sbr.abs _section_cstart, $3  }
0xc0: {  	[dreg:$0x1] =	wrdreg $0xFFFFFFFF  }
0xc1: {  	_ =	task.clear_ibuf [dreg:s7], $0x2FFFF;
	_ =	strace $0x9FFFFFFF  }
0xc2: {  	(tm) =	ssettm $0x7FFFFFFF  }
0xc3: {  	_ =	shalt  }
tec
execute0_lowered:
.L_overlay_start_1:
0x0: {  	(tag) =	ssettag $0x1  }
0x1: {  	s0 =	srdreg.scid  }
0x2: {  	s11 =	stileid.u32;
	s1 =	rddreg [dreg:$0x0]  }
0x3: {  	s4 =	rddreg [dreg:$0x1];
	s12 =	simm.s32 $0x80;
	s26 =	simm.s32 $0x18400  }
0x4: {  	s28 =	simm.s32 $0x16400;
	s29 =	simm.s32 $0x1;
	s5 =	smul.u32 $0x190, s11  }
0x5: {  	s30 =	simm.s32 $0x6;
	s31 =	simm.s32 $0x2;
	s9 =	smul.u32 $0x64000, s11  }
0x6: {  	s14 =	simm.s32 $0x8;
	s0 =	sand.u32 $0x1, s0;
	s19 =	smul.u32 $0x320000, s11  }
0x7: {  	s15 =	simm.s32 $0x4;
	s2 =	sshll.u32 s11, $0x1;
	s6 =	smul.u32 $0xC8, s0  }
0x8: {  	s17 =	simm.s32 $0x9;
	s3 =	sor.u32 s0, s2;
	s10 =	smul.u32 $0x32000, s0  }
0x9: {  	s2 =	simm.s32 $0x0;
	s8 =	ssub.s32 $0x2, s0;
	s0 =	smul.u32 $0x190000, s0  }
0xa: {  	s3 =	smul.u32 $0xC80, s3;
	[smem:$0x7FF] =	sst s2;
	s18 =	sshrl.u32 s8, $0x1  }
0xb: {  	s21 =	sadd.s32 s9, s4;
	_ =	strace $0x80000047;
	s5 =	sadd.s32 s6, s5  }
0xc: {  	s22 =	sadd.s32 s10, s21;
	s0 =	sadd.s32 s0, s19;
	[dreg:$0x3] =	wrdreg s26  }
0xd: {  	s6 =	simm.s32 $0x0;
	s7 =	sadd.s32 s3, s1;
	s3 =	sadd.s32 $0xF42E00, s1  }
0xe: {  	s1 =	ssub.s32 s8, s18;
	s5 =	sshll.u32 s5, $0xA;
	[dreg:$0x7] =	wrdreg s22  }
0xf: {  	s23 =	sadd.s32 $0x10000, s0;
	s24 =	sor.u32 $0xC000, s0;
	s0 =	sor.u32 $0x8000, s0  }
0x10: {  	s18 =	simm.s32 $0x5;
	s7 =	sadd.s32 $0xA00, s7;
	s1 =	smax.u32 s1, $0x1  }
0x11: {  	s20 =	sadd.s32 s5, s4;
	s5 =	sshrl.u32 s24, $0x3;
	[dreg:$0x4] =	wrdreg s7  }
0x12: {  	s0 =	sshrl.u32 s0, $0x3;
	[dreg:$0x5] =	wrdreg s1;
	s1 =	sadd.s32 $0x800, s20  }
0x13: {  	s24 =	simm.s32 $0xA400;
	s25 =	sadd.s32 s5, s4;
	[dreg:$0x6] =	wrdreg s1  }
0x14: {  	s0 =	sadd.s32 s0, s4;
	s1 =	sshrl.u32 s23, $0x3;
	[dreg:$0x9] =	wrdreg s25  }
0x15: {  	s20 =	simm.s32 $0x6400;
	[dreg:$0xa] =	wrdreg s0;
	s1 =	sadd.s32 s1, s4  }
0x16: {  	s0 =	simm.s32 $0x3;
	[dreg:$0x8] =	wrdreg s1;
	s1 =	simm.s32 $0x7  }
.LBB2_1:
0x17: {  	[dreg:$0xb] =	wrdreg s6  }
0x18: {  	s4 =	rddreg [dreg:$0x4];
	s25 =	simm.s32 $0xB  }
0x19: {  	[tilespmem:s2], [sflag:$0xB] =	stream.linear.gather [hbm4b:s4+s2], $0x6400, $0x38;
	[tilespmem:$0x1A400] =	vst v63  }
0x1a: {  	_ =	swait.ge [sflag:s25], $0x6400  }
0x1b: {  	[sflag:s25] =	ssyncset.done $0x0  }
0x1c: {  	s6 =	simm.s32 $0x6400;
	[sflag:s25] =	ssyncadd.s32 $0xFFFF9C00  }
0x1d: {  	[tilespmem:s6], [sflag:$0x1] =	stream.indirect.gather [hbm4b:s3+s12], $0x40, s2, s12, $0xb8;
	[tilespmem:$0x1A400] =	vst v63  }
0x1e: {  	s26 =	simm.s32 $0x8400  }
0x1f: {  	[tilespmem:s26], [sflag:$0x1] =	stream.indirect.gather [hbm4b:s3+s12], $0x40, s12, s12, $0xb8;
	[tilespmem:$0x1A400] =	vst v63  }
0x20: {  	s5 =	simm.s32 $0x100;
	s9 =	simm.s32 $0xA400  }
0x21: {  	[tilespmem:s9], [sflag:$0x2] =	stream.indirect.gather [hbm4b:s3+s12], $0x40, s5, s12, $0xb8;
	[tilespmem:$0x1A400] =	vst v63  }
0x22: {  	s7 =	simm.s32 $0x180;
	s5 =	simm.s32 $0xC400  }
0x23: {  	[tilespmem:s5], [sflag:$0x2] =	stream.indirect.gather [hbm4b:s3+s12], $0x40, s7, s12, $0xb8;
	[tilespmem:$0x1A400] =	vst v63  }
0x24: {  	s8 =	simm.s32 $0x200;
	s11 =	simm.s32 $0xE400  }
0x25: {  	[tilespmem:s11], [sflag:$0x3] =	stream.indirect.gather [hbm4b:s3+s12], $0x40, s8, s12, $0xb8;
	[tilespmem:$0x1A400] =	vst v63  }
0x26: {  	s10 =	simm.s32 $0x280;
	s13 =	simm.s32 $0x10400  }
0x27: {  	[tilespmem:s13], [sflag:$0x3] =	stream.indirect.gather [hbm4b:s3+s12], $0x40, s10, s12, $0xb8;
	[tilespmem:$0x1A400] =	vst v63  }
0x28: {  	s16 =	simm.s32 $0x300;
	p0 =	por $0x1, $0x1;
	s13 =	simm.s32 $0x12400  }
0x29: {  	[tilespmem:s13], [sflag:$0x4] =	stream.indirect.gather [hbm4b:s3+s12], $0x40, s16, s12, $0xb8;
	[tilespmem:$0x1A400] =	vst v63  }
0x2a: {  	s19 =	simm.s32 $0x380;
	s21 =	simm.s32 $0x14400;
	s4 =	simm.s32 @!p0 $0xA  }
0x2b: {  	[tilespmem:s21], [sflag:$0x4] =	stream.indirect.gather [hbm4b:s3+s12], $0x40, s19, s12, $0xb8;
	[tilespmem:$0x1A400] =	vst v63  }
0x2c: {  	_ =	swait.ge @!p0 [sflag:s4], $0x4000  }
0x2d: {  	[sflag:s4] =	ssyncset.done @!p0 $0x0  }
0x2e: {  	s22 =	simm.s32 $0x400;
	[sflag:s4] =	ssyncadd.s32 @!p0 $0xFFFFC000  }
0x2f: {  	[tilespmem:s28], [sflag:$0x5] =	stream.indirect.gather [hbm4b:s3+s12], $0x40, s22, s12, $0xb8;
	[tilespmem:$0x1A400] =	vst v63  }
0x30: {  	s25 =	simm.s32 $0x480;
	s23 =	rddreg [dreg:$0x3]  }
0x31: {  	[tilespmem:s23], [sflag:$0x5] =	stream.indirect.gather [hbm4b:s3+s12], $0x40, s25, s12, $0xb8;
	[tilespmem:$0x1A400] =	vst v63  }
0x32: {  	_ =	swait.ge [sflag:s29], $0x2000  }
0x33: {  	[sflag:s29] =	ssyncset.done $0x0  }
0x34: {  	[sflag:s29] =	ssyncadd.s32 $0xFFFFE000  }
0x35: {  	_ =	swait.ge [sflag:s29], $0x2000  }
0x36: {  	[sflag:s29] =	ssyncset.done $0x0  }
0x37: {  	s8 =	rddreg [dreg:$0x7];
	[sflag:s29] =	ssyncadd.s32 $0xFFFFE000  }
0x38: {  	[hbm4b:s8+s2] =	stream.linear.scatter [tilespmem:s6], [sflag:$0x6], $0x4000, $0x38;
	[tilespmem:$0x1A400] =	vst v63  }
0x39: {  	p0 =	por $0x0, $0x0;
	_ =	swait.ge [sflag:s30], $0x4000  }
0x3a: {  	s4 =	simm.s32 @!p0 $0x6400;
	[sflag:s30] =	ssyncset.done $0x0  }
0x3b: {  	s5 =	simm.s32 @!p0 $0x500;
	s6 =	simm.s32 @!p0 $0x80;
	[sflag:s30] =	ssyncadd.s32 $0xFFFFC000  }
0x3c: {  	[tilespmem:s4], [sflag:$0x1] =	stream.indirect.gather @!p0 [hbm4b:s3+s6], $0x40, s5, s6, $0xb8;
	[tilespmem:$0x1A400] =	vst v63  }
0x3d: {  	s4 =	simm.s32 @!p0 $0x580;
	s5 =	simm.s32 @!p0 $0x8400  }
0x3e: {  	[tilespmem:s5], [sflag:$0x1] =	stream.indirect.gather @!p0 [hbm4b:s3+s6], $0x40, s4, s6, $0xb8;
	[tilespmem:$0x1A400] =	vst v63  }
0x3f: {  	_ =	swait.ge [sflag:s31], $0x2000  }
0x40: {  	[sflag:s31] =	ssyncset.done $0x0  }
0x41: {  	[sflag:s31] =	ssyncadd.s32 $0xFFFFE000  }
0x42: {  	_ =	swait.ge [sflag:s31], $0x2000  }
0x43: {  	[sflag:s31] =	ssyncset.done $0x0  }
0x44: {  	s7 =	rddreg [dreg:$0x6];
	[sflag:s31] =	ssyncadd.s32 $0xFFFFE000  }
0x45: {  	[hbm4b:s7+s2] =	stream.linear.scatter [tilespmem:s9], [sflag:$0x7], $0x4000, $0x38;
	[tilespmem:$0x1A400] =	vst v63  }
0x46: {  	_ =	swait.ge [sflag:s1], $0x4000  }
0x47: {  	[sflag:s1] =	ssyncset.done $0x0  }
0x48: {  	s4 =	simm.s32 @!p0 $0x600;
	s5 =	simm.s32 @!p0 $0xA400;
	[sflag:s1] =	ssyncadd.s32 $0xFFFFC000  }
0x49: {  	[tilespmem:s5], [sflag:$0x2] =	stream.indirect.gather @!p0 [hbm4b:s3+s6], $0x40, s4, s6, $0xb8;
	[tilespmem:$0x1A400] =	vst v63  }
0x4a: {  	s4 =	simm.s32 @!p0 $0x680;
	s5 =	simm.s32 @!p0 $0xC400  }
0x4b: {  	[tilespmem:s5], [sflag:$0x2] =	stream.indirect.gather @!p0 [hbm4b:s3+s6], $0x40, s4, s6, $0xb8;
	[tilespmem:$0x1A400] =	vst v63  }
0x4c: {  	_ =	swait.ge [sflag:s0], $0x2000  }
0x4d: {  	[sflag:s0] =	ssyncset.done $0x0  }
0x4e: {  	[sflag:s0] =	ssyncadd.s32 $0xFFFFE000  }
0x4f: {  	_ =	swait.ge [sflag:s0], $0x2000  }
0x50: {  	[sflag:s0] =	ssyncset.done $0x0  }
0x51: {  	s10 =	rddreg [dreg:$0xa];
	[sflag:s0] =	ssyncadd.s32 $0xFFFFE000  }
0x52: {  	[hbm4b:s10+s2] =	stream.linear.scatter [tilespmem:s11], [sflag:$0x8], $0x4000, $0x38;
	[tilespmem:$0x1A400] =	vst v63  }
0x53: {  	_ =	swait.ge [sflag:s14], $0x4000  }
0x54: {  	[sflag:s14] =	ssyncset.done $0x0  }
0x55: {  	s4 =	simm.s32 @!p0 $0x700;
	s5 =	simm.s32 @!p0 $0xE400;
	[sflag:s14] =	ssyncadd.s32 $0xFFFFC000  }
0x56: {  	[tilespmem:s5], [sflag:$0x3] =	stream.indirect.gather @!p0 [hbm4b:s3+s6], $0x40, s4, s6, $0xb8;
	[tilespmem:$0x1A400] =	vst v63  }
0x57: {  	s4 =	simm.s32 @!p0 $0x780;
	s5 =	simm.s32 @!p0 $0x10400  }
0x58: {  	[tilespmem:s5], [sflag:$0x3] =	stream.indirect.gather @!p0 [hbm4b:s3+s6], $0x40, s4, s6, $0xb8;
	[tilespmem:$0x1A400] =	vst v63  }
0x59: {  	_ =	swait.ge [sflag:s15], $0x2000  }
0x5a: {  	[sflag:s15] =	ssyncset.done $0x0  }
0x5b: {  	[sflag:s15] =	ssyncadd.s32 $0xFFFFE000  }
0x5c: {  	_ =	swait.ge [sflag:s15], $0x2000  }
0x5d: {  	[sflag:s15] =	ssyncset.done $0x0  }
0x5e: {  	s26 =	rddreg [dreg:$0x9];
	[sflag:s15] =	ssyncadd.s32 $0xFFFFE000  }
0x5f: {  	[hbm4b:s26+s2] =	stream.linear.scatter [tilespmem:s13], [sflag:$0x9], $0x4000, $0x38;
	[tilespmem:$0x1A400] =	vst v63  }
0x60: {  	_ =	swait.ge [sflag:s17], $0x4000  }
0x61: {  	[sflag:s17] =	ssyncset.done $0x0  }
0x62: {  	s4 =	simm.s32 @!p0 $0x800;
	s5 =	simm.s32 @!p0 $0x12400;
	[sflag:s17] =	ssyncadd.s32 $0xFFFFC000  }
0x63: {  	[tilespmem:s5], [sflag:$0x4] =	stream.indirect.gather @!p0 [hbm4b:s3+s6], $0x40, s4, s6, $0xb8;
	[tilespmem:$0x1A400] =	vst v63  }
0x64: {  	s4 =	simm.s32 @!p0 $0x880;
	s5 =	simm.s32 @!p0 $0x14400  }
0x65: {  	[tilespmem:s5], [sflag:$0x4] =	stream.indirect.gather @!p0 [hbm4b:s3+s6], $0x40, s4, s6, $0xb8;
	[tilespmem:$0x1A400] =	vst v63  }
0x66: {  	_ =	swait.ge [sflag:s18], $0x2000  }
0x67: {  	[sflag:s18] =	ssyncset.done $0x0  }
0x68: {  	p1 =	por $0x0, $0x0;
	s25 =	sadd.s32 $0x2800, s10;
	[sflag:s18] =	ssyncadd.s32 $0xFFFFE000  }
0x69: {  	s11 =	simm.s32 $0x1400;
	s23 =	sadd.s32 $0x2800, s26;
	_ =	swait.ge [sflag:s18], $0x2000  }
0x6a: {  	s26 =	sadd.s32 $0x2800, s7;
	s4 =	sadd.s32 $0x2800, s8;
	s8 =	rddreg [dreg:$0x8]  }
0x6b: {  	s5 =	simm.s32 $0x2800;
	[sflag:s18] =	ssyncset.done $0x0;
	s22 =	sadd.s32 $0x2800, s8  }
.LBB2_2:
0x6c: {  	s6 =	simm.s32 @!p1 $0xA;
	[sflag:s18] =	ssyncadd.s32 $0xFFFFE000  }
0x6d: {  	[hbm4b:s8+s2] =	stream.linear.scatter [tilespmem:s28], [sflag:$0xA], $0x4000, $0x38;
	[tilespmem:$0x1A400] =	vst v63  }
0x6e: {  	_ =	swait.ge @!p1 [sflag:s6], $0x4000  }
0x6f: {  	s7 =	sshra.s32 s11, $0x2;
	[sflag:s6] =	ssyncset.done @!p1 $0x0  }
0x70: {  	s13 =	sadd.s32 $0x400, s7;
	[sflag:s6] =	ssyncadd.s32 @!p1 $0xFFFFC000  }
0x71: {  	[tilespmem:s28], [sflag:$0x5] =	stream.indirect.gather [hbm4b:s3+s12], $0x40, s13, s12, $0xb8;
	[tilespmem:$0x1A400] =	vst v63  }
0x72: {  	s16 =	sadd.s32 $0x480, s7;
	s9 =	rddreg [dreg:$0x3]  }
0x73: {  	[tilespmem:s9], [sflag:$0x5] =	stream.indirect.gather [hbm4b:s3+s12], $0x40, s16, s12, $0xb8;
	[tilespmem:$0x1A400] =	vst v63  }
0x74: {  	_ =	swait.ge [sflag:s29], $0x2000  }
0x75: {  	[sflag:s29] =	ssyncset.done $0x0  }
0x76: {  	[sflag:s29] =	ssyncadd.s32 $0xFFFFE000  }
0x77: {  	_ =	swait.ge [sflag:s29], $0x2000  }
0x78: {  	[sflag:s29] =	ssyncset.done $0x0  }
0x79: {  	[sflag:s29] =	ssyncadd.s32 $0xFFFFE000  }
0x7a: {  	[hbm4b:s4+s2] =	stream.linear.scatter [tilespmem:s20], [sflag:$0x6], $0x4000, $0x38;
	[tilespmem:$0x1A400] =	vst v63  }
0x7b: {  	p1 =	seq.s32 s11, $0x17C00;
	_ =	swait.ge [sflag:s30], $0x4000  }
0x7c: {  	s7 =	sshra.s32 @!p1 s11, $0x2;
	s6 =	simm.s32 @!p1 $0x80;
	[sflag:s30] =	ssyncset.done $0x0  }
0x7d: {  	s11 =	sadd.s32 @!p1 $0x500, s7;
	s9 =	simm.s32 @!p1 $0x6400;
	[sflag:s30] =	ssyncadd.s32 $0xFFFFC000  }
0x7e: {  	[tilespmem:s9], [sflag:$0x1] =	stream.indirect.gather @!p1 [hbm4b:s3+s6], $0x40, s11, s6, $0xb8;
	[tilespmem:$0x1A400] =	vst v63  }
0x7f: {  	s9 =	sadd.s32 @!p1 $0x580, s7;
	s11 =	simm.s32 @!p1 $0x8400  }
0x80: {  	[tilespmem:s11], [sflag:$0x1] =	stream.indirect.gather @!p1 [hbm4b:s3+s6], $0x40, s9, s6, $0xb8;
	[tilespmem:$0x1A400] =	vst v63  }
0x81: {  	_ =	swait.ge [sflag:s31], $0x2000  }
0x82: {  	[sflag:s31] =	ssyncset.done $0x0  }
0x83: {  	[sflag:s31] =	ssyncadd.s32 $0xFFFFE000  }
0x84: {  	_ =	swait.ge [sflag:s31], $0x2000  }
0x85: {  	[sflag:s31] =	ssyncset.done $0x0  }
0x86: {  	[sflag:s31] =	ssyncadd.s32 $0xFFFFE000  }
0x87: {  	[hbm4b:s26+s2] =	stream.linear.scatter [tilespmem:s24], [sflag:$0x7], $0x4000, $0x38;
	[tilespmem:$0x1A400] =	vst v63  }
0x88: {  	_ =	swait.ge [sflag:s1], $0x4000  }
0x89: {  	s10 =	smov.u32 s5;
	s19 =	sadd.s32 @!p1 $0x600, s7;
	[sflag:s1] =	ssyncset.done $0x0  }
0x8a: {  	s11 =	smov.u32 s10;
	s10 =	simm.s32 @!p1 $0xA400;
	[sflag:s1] =	ssyncadd.s32 $0xFFFFC000  }
0x8b: {  	[tilespmem:s10], [sflag:$0x2] =	stream.indirect.gather @!p1 [hbm4b:s3+s6], $0x40, s19, s6, $0xb8;
	[tilespmem:$0x1A400] =	vst v63  }
0x8c: {  	s21 =	sadd.s32 @!p1 $0x680, s7;
	s10 =	simm.s32 @!p1 $0xC400  }
0x8d: {  	[tilespmem:s10], [sflag:$0x2] =	stream.indirect.gather @!p1 [hbm4b:s3+s6], $0x40, s21, s6, $0xb8;
	[tilespmem:$0x1A400] =	vst v63  }
0x8e: {  	_ =	swait.ge [sflag:s0], $0x2000  }
0x8f: {  	[sflag:s0] =	ssyncset.done $0x0  }
0x90: {  	[sflag:s0] =	ssyncadd.s32 $0xFFFFE000  }
0x91: {  	_ =	swait.ge [sflag:s0], $0x2000  }
0x92: {  	[sflag:s0] =	ssyncset.done $0x0  }
0x93: {  	s19 =	simm.s32 $0xE400;
	[sflag:s0] =	ssyncadd.s32 $0xFFFFE000  }
0x94: {  	[hbm4b:s25+s2] =	stream.linear.scatter [tilespmem:s19], [sflag:$0x8], $0x4000, $0x38;
	[tilespmem:$0x1A400] =	vst v63  }
0x95: {  	_ =	swait.ge [sflag:s14], $0x4000  }
0x96: {  	[sflag:s14] =	ssyncset.done $0x0  }
0x97: {  	s13 =	sadd.s32 @!p1 $0x700, s7;
	s10 =	simm.s32 @!p1 $0xE400;
	[sflag:s14] =	ssyncadd.s32 $0xFFFFC000  }
0x98: {  	[tilespmem:s10], [sflag:$0x3] =	stream.indirect.gather @!p1 [hbm4b:s3+s6], $0x40, s13, s6, $0xb8;
	[tilespmem:$0x1A400] =	vst v63  }
0x99: {  	s16 =	sadd.s32 @!p1 $0x780, s7;
	s10 =	simm.s32 @!p1 $0x10400  }
0x9a: {  	[tilespmem:s10], [sflag:$0x3] =	stream.indirect.gather @!p1 [hbm4b:s3+s6], $0x40, s16, s6, $0xb8;
	[tilespmem:$0x1A400] =	vst v63  }
0x9b: {  	_ =	swait.ge [sflag:s15], $0x2000  }
0x9c: {  	[sflag:s15] =	ssyncset.done $0x0  }
0x9d: {  	[sflag:s15] =	ssyncadd.s32 $0xFFFFE000  }
0x9e: {  	_ =	swait.ge [sflag:s15], $0x2000  }
0x9f: {  	[sflag:s15] =	ssyncset.done $0x0  }
0xa0: {  	s21 =	simm.s32 $0x12400;
	[sflag:s15] =	ssyncadd.s32 $0xFFFFE000  }
0xa1: {  	[hbm4b:s23+s2] =	stream.linear.scatter [tilespmem:s21], [sflag:$0x9], $0x4000, $0x38;
	[tilespmem:$0x1A400] =	vst v63  }
0xa2: {  	_ =	swait.ge [sflag:s17], $0x4000  }
0xa3: {  	s5 =	sadd.s32 $0x1400, s5;
	[sflag:s17] =	ssyncset.done $0x0  }
0xa4: {  	s9 =	sadd.s32 @!p1 $0x800, s7;
	s10 =	simm.s32 @!p1 $0x12400;
	[sflag:s17] =	ssyncadd.s32 $0xFFFFC000  }
0xa5: {  	[tilespmem:s10], [sflag:$0x4] =	stream.indirect.gather @!p1 [hbm4b:s3+s6], $0x40, s9, s6, $0xb8;
	[tilespmem:$0x1A400] =	vst v63  }
0xa6: {  	p0 =	sne.s32 s5, $0x19000;
	s7 =	sadd.s32 @!p1 $0x880, s7;
	s9 =	simm.s32 @!p1 $0x14400  }
0xa7: {  	[tilespmem:s9], [sflag:$0x4] =	stream.indirect.gather @!p1 [hbm4b:s3+s6], $0x40, s7, s6, $0xb8;
	[tilespmem:$0x1A400] =	vst v63  }
.Ltmp0:
0xa8: {  	_ =	swait.ge [sflag:s18], $0x2000;
	(pc) =	sbr.rel @p0 .LBB2_2-.Ltmp0, $4  }
0xa9: {  	s8 =	smov.u32 s22;
	[sflag:s18] =	ssyncset.done $0x0  }
0xaa: {  	s22 =	sadd.s32 $0x2800, s22;
	s4 =	sadd.s32 $0x2800, s4;
	[sflag:s18] =	ssyncadd.s32 $0xFFFFE000  }
0xab: {  	s26 =	sadd.s32 $0x2800, s26;
	s25 =	sadd.s32 $0x2800, s25;
	_ =	swait.ge [sflag:s18], $0x2000  }
0xac: {  	s23 =	sadd.s32 $0x2800, s23;
	p1 =	seq.s32 s11, $0x0;
	[sflag:s18] =	ssyncset.done $0x0  }
0xad: {  	s5 =	simm.s32 @!p1 $0xA;
	[sflag:s18] =	ssyncadd.s32 $0xFFFFE000  }
0xae: {  	[hbm4b:s8+s2] =	stream.linear.scatter [tilespmem:s28], [sflag:$0xA], $0x4000, $0x38;
	[tilespmem:$0x1A400] =	vst v63  }
0xaf: {  	_ =	swait.ge @!p1 [sflag:s5], $0x4000  }
0xb0: {  	s6 =	sshra.s32 s11, $0x2;
	[sflag:s5] =	ssyncset.done @!p1 $0x0  }
0xb1: {  	s13 =	sadd.s32 $0x400, s6;
	[sflag:s5] =	ssyncadd.s32 @!p1 $0xFFFFC000  }
0xb2: {  	[tilespmem:s28], [sflag:$0x5] =	stream.indirect.gather [hbm4b:s3+s12], $0x40, s13, s12, $0xb8;
	[tilespmem:$0x1A400] =	vst v63  }
0xb3: {  	s16 =	sadd.s32 $0x480, s6;
	s7 =	rddreg [dreg:$0x3]  }
0xb4: {  	[tilespmem:s7], [sflag:$0x5] =	stream.indirect.gather [hbm4b:s3+s12], $0x40, s16, s12, $0xb8;
	[tilespmem:$0x1A400] =	vst v63  }
0xb5: {  	_ =	swait.ge [sflag:s29], $0x2000  }
0xb6: {  	[sflag:s29] =	ssyncset.done $0x0  }
0xb7: {  	[sflag:s29] =	ssyncadd.s32 $0xFFFFE000  }
0xb8: {  	_ =	swait.ge [sflag:s29], $0x2000  }
0xb9: {  	[sflag:s29] =	ssyncset.done $0x0  }
0xba: {  	[sflag:s29] =	ssyncadd.s32 $0xFFFFE000  }
0xbb: {  	[hbm4b:s4+s2] =	stream.linear.scatter [tilespmem:s20], [sflag:$0x6], $0x4000, $0x38;
	[tilespmem:$0x1A400] =	vst v63  }
0xbc: {  	p0 =	seq.s32 s11, $0x17C00;
	_ =	swait.ge [sflag:s30], $0x4000  }
0xbd: {  	s5 =	simm.s32 @!p0 $0x6400;
	s4 =	sshra.s32 @!p0 s11, $0x2;
	[sflag:s30] =	ssyncset.done $0x0  }
0xbe: {  	s7 =	simm.s32 @!p0 $0x80;
	s6 =	sadd.s32 @!p0 $0x500, s4;
	[sflag:s30] =	ssyncadd.s32 $0xFFFFC000  }
0xbf: {  	[tilespmem:s5], [sflag:$0x1] =	stream.indirect.gather @!p0 [hbm4b:s3+s7], $0x40, s6, s7, $0xb8;
	[tilespmem:$0x1A400] =	vst v63  }
0xc0: {  	s5 =	sadd.s32 @!p0 $0x580, s4;
	s6 =	simm.s32 @!p0 $0x8400  }
0xc1: {  	[tilespmem:s6], [sflag:$0x1] =	stream.indirect.gather @!p0 [hbm4b:s3+s7], $0x40, s5, s7, $0xb8;
	[tilespmem:$0x1A400] =	vst v63  }
0xc2: {  	_ =	swait.ge [sflag:s31], $0x2000  }
0xc3: {  	[sflag:s31] =	ssyncset.done $0x0  }
0xc4: {  	[sflag:s31] =	ssyncadd.s32 $0xFFFFE000  }
0xc5: {  	_ =	swait.ge [sflag:s31], $0x2000  }
0xc6: {  	[sflag:s31] =	ssyncset.done $0x0  }
0xc7: {  	[sflag:s31] =	ssyncadd.s32 $0xFFFFE000  }
0xc8: {  	[hbm4b:s26+s2] =	stream.linear.scatter [tilespmem:s24], [sflag:$0x7], $0x4000, $0x38;
	[tilespmem:$0x1A400] =	vst v63  }
0xc9: {  	_ =	swait.ge [sflag:s1], $0x4000  }
0xca: {  	[sflag:s1] =	ssyncset.done $0x0  }
0xcb: {  	s5 =	sadd.s32 @!p0 $0x600, s4;
	s6 =	simm.s32 @!p0 $0xA400;
	[sflag:s1] =	ssyncadd.s32 $0xFFFFC000  }
0xcc: {  	[tilespmem:s6], [sflag:$0x2] =	stream.indirect.gather @!p0 [hbm4b:s3+s7], $0x40, s5, s7, $0xb8;
	[tilespmem:$0x1A400] =	vst v63  }
0xcd: {  	s5 =	sadd.s32 @!p0 $0x680, s4;
	s6 =	simm.s32 @!p0 $0xC400  }
0xce: {  	[tilespmem:s6], [sflag:$0x2] =	stream.indirect.gather @!p0 [hbm4b:s3+s7], $0x40, s5, s7, $0xb8;
	[tilespmem:$0x1A400] =	vst v63  }
0xcf: {  	_ =	swait.ge [sflag:s0], $0x2000  }
0xd0: {  	[sflag:s0] =	ssyncset.done $0x0  }
0xd1: {  	[sflag:s0] =	ssyncadd.s32 $0xFFFFE000  }
0xd2: {  	_ =	swait.ge [sflag:s0], $0x2000  }
0xd3: {  	[sflag:s0] =	ssyncset.done $0x0  }
0xd4: {  	s19 =	simm.s32 $0xE400;
	[sflag:s0] =	ssyncadd.s32 $0xFFFFE000  }
0xd5: {  	[hbm4b:s25+s2] =	stream.linear.scatter [tilespmem:s19], [sflag:$0x8], $0x4000, $0x38;
	[tilespmem:$0x1A400] =	vst v63  }
0xd6: {  	_ =	swait.ge [sflag:s14], $0x4000  }
0xd7: {  	[sflag:s14] =	ssyncset.done $0x0  }
0xd8: {  	s5 =	sadd.s32 @!p0 $0x700, s4;
	s6 =	simm.s32 @!p0 $0xE400;
	[sflag:s14] =	ssyncadd.s32 $0xFFFFC000  }
0xd9: {  	[tilespmem:s6], [sflag:$0x3] =	stream.indirect.gather @!p0 [hbm4b:s3+s7], $0x40, s5, s7, $0xb8;
	[tilespmem:$0x1A400] =	vst v63  }
0xda: {  	s5 =	sadd.s32 @!p0 $0x780, s4;
	s6 =	simm.s32 @!p0 $0x10400  }
0xdb: {  	[tilespmem:s6], [sflag:$0x3] =	stream.indirect.gather @!p0 [hbm4b:s3+s7], $0x40, s5, s7, $0xb8;
	[tilespmem:$0x1A400] =	vst v63  }
0xdc: {  	_ =	swait.ge [sflag:s15], $0x2000  }
0xdd: {  	[sflag:s15] =	ssyncset.done $0x0  }
0xde: {  	[sflag:s15] =	ssyncadd.s32 $0xFFFFE000  }
0xdf: {  	_ =	swait.ge [sflag:s15], $0x2000  }
0xe0: {  	[sflag:s15] =	ssyncset.done $0x0  }
0xe1: {  	s21 =	simm.s32 $0x12400;
	[sflag:s15] =	ssyncadd.s32 $0xFFFFE000  }
0xe2: {  	[hbm4b:s23+s2] =	stream.linear.scatter [tilespmem:s21], [sflag:$0x9], $0x4000, $0x38;
	[tilespmem:$0x1A400] =	vst v63  }
0xe3: {  	_ =	swait.ge [sflag:s17], $0x4000  }
0xe4: {  	[sflag:s17] =	ssyncset.done $0x0  }
0xe5: {  	s5 =	sadd.s32 @!p0 $0x800, s4;
	s6 =	simm.s32 @!p0 $0x12400;
	[sflag:s17] =	ssyncadd.s32 $0xFFFFC000  }
0xe6: {  	[tilespmem:s6], [sflag:$0x4] =	stream.indirect.gather @!p0 [hbm4b:s3+s7], $0x40, s5, s7, $0xb8;
	[tilespmem:$0x1A400] =	vst v63  }
0xe7: {  	s4 =	sadd.s32 @!p0 $0x880, s4;
	s5 =	simm.s32 @!p0 $0x14400  }
0xe8: {  	[tilespmem:s5], [sflag:$0x4] =	stream.indirect.gather @!p0 [hbm4b:s3+s7], $0x40, s4, s7, $0xb8;
	[tilespmem:$0x1A400] =	vst v63  }
0xe9: {  	_ =	swait.ge [sflag:s18], $0x2000  }
0xea: {  	[sflag:s18] =	ssyncset.done $0x0  }
0xeb: {  	[sflag:s18] =	ssyncadd.s32 $0xFFFFE000  }
0xec: {  	_ =	swait.ge [sflag:s18], $0x2000  }
0xed: {  	[sflag:s18] =	ssyncset.done $0x0  }
0xee: {  	s23 =	simm.s32 $0xA;
	[sflag:s18] =	ssyncadd.s32 $0xFFFFE000  }
0xef: {  	[hbm4b:s22+s2] =	stream.linear.scatter [tilespmem:s28], [sflag:$0xA], $0x4000, $0x38;
	[tilespmem:$0x1A400] =	vst v63  }
0xf0: {  	_ =	swait.ge [sflag:s23], $0x4000  }
0xf1: {  	s25 =	rddreg [dreg:$0xb]  }
0xf2: {  	s26 =	rddreg [dreg:$0x5];
	s6 =	sadd.s32 $0x1, s25  }
0xf3: {  	p0 =	sne.s32 s6, s26  }
.Ltmp1:
0xf4: {  	_ = 	snop;
	(pc) =	sbr.rel @p0 .LBB2_1-.Ltmp1, $3  }
0xf5: {  	_ =	sdelay $0x1  }
0xf6: {  	[sflag:s23] =	ssyncset.done $0x0  }
0xf7: {  	[sflag:s23] =	ssyncadd.s32 $0xFFFFC000  }
0xf8: {  	_ =	sfence.sel $0x180000  }
0xf9: {  	[bflag:$0x0] =	sbarrier.arrive $0xFFFF  }
0xfa: {  	_ =	strace $0x90000047  }
0xfb: {  	s0 =	stileid.u32;
	[bflag:$0x2] =	sbarrier.arrive $0xFFFF  }
0xfc: {  	p0 =	sne.s32 s0, $0x0;
	s0 =	rddreg [dreg:$0x2]  }
0xfd: {  	s0 =	sadd.s32 @!p0 $0x100000, s0  }
0xfe: {  	[sflag:s0] =	ssyncadd.tile.s32 @!p0 $0x1;
	_ =	shalt  }
.Lfunc_end2:
_tile_overlayer_lowered:
.L_overlay_start_2:
0xff: {  	(tag) =	ssettag $0x2  }
0x100: {  	s0 =	rddreg [dreg:$0x0];
	s2 =	stileid.u32  }
0x101: {  	s1 =	rddreg [dreg:$0x1];
	p0 =	sne.s32 s2, $0x0  }
0x102: {  	s3 =	rddreg [dreg:$0x2];
	[bflag:$0x3] =	sbarrier.arrive $0xFFFF;
	s2 =	simm.s32 @!p0 $0x1C0B  }
0x103: {  	[timem:s3], [sflag:s2] =	dma.local @!p0 [hbm:s0], s1  }
0x104: {  	s0 =	simm.s32 @!p0 $0xB  }
0x105: {  	_ =	swait.ge @!p0 [sflag:s0], s1  }
0x106: {  	s1 =	ssub.s32 @!p0 $0x0, s1;
	[sflag:s0] =	ssyncset.done @!p0 $0x0  }
0x107: {  	[sflag:s0] =	ssyncadd.s32 @!p0 s1  }
0x108: {  	[bflag:$0x3] =	sbarrier.arrive $0xFFFF  }
0x109: {  	_ =	shalt  }

// kernel: sparse-core-data-format-call.cloned.1.call-start
scs
called_computation_lowered:
.L_overlay_start_0:
0x0: {  	s2 =	sld [smem:$0x3FD9]  }
0x1: {  	s3 =	sld [smem:$0x3FFE];
	_ =	sdelay $0x1  }
0x2: {  	s1 =	srdreg.scid  }
0x3: {  	s0 =	sand.u32 $0x1, s1  }
0x4: {  	s18 =	sshll.u32 s0, $0xA;
	s2 =	sadd.s32 s3, s2  }
0x5: {  	s2 =	sadd.s32 s2, s18  }
0x6: {  	[smem:$0x3FC6] =	sst s2  }
0x7: {  	_ = 	snop  }
0x8: {  	s2 =	sld [smem:$0x3FD0];
	(tm) =	ssettm $0x1  }
0x9: {  	s19 =	sld [smem:$0x3FFB];
	_ =	sdelay $0x3  }
0xa: {  	_ =	strace s19  }
0xb: {  	s3 =	sld [smem:$0x3FFC];
	_ =	sdelay $0x3  }
0xc: {  	_ =	strace s3  }
0xd: {  	s3 =	sld [smem:$0x3FFD];
	_ =	sdelay $0x3  }
0xe: {  	_ =	strace s3  }
0xf: {  	_ =	strace $0x8FFFFFFF  }
0x10: {  	s20 =	sld [smem:$0x3FDB];
	_ =	sdelay $0x1  }
0x11: {  	s4 =	simm.s32 $_scs_section_size  }
0x12: {  	s5 =	simm.s32 $_size__tile_overlayer_lowered;
	s6 =	simm.s32 $_tile_overlayer_lowered  }
0x13: {  	s23 =	simm.s32 $0x1BFF;
	s22 =	sshll.u32 s6, $0x1;
	s3 =	sadd.s32 s4, s20  }
0x14: {  	s7 =	simm.s32 $0x0;
	s21 =	sshll.u32 s5, $0x1;
	s5 =	sadd.s32 s22, s3  }
0x15: {  	[timem:s7], [sflag:s23] =	dma.local [hbm:s5], s21  }
0x16: {  	_ =	swait.ge [sflag:s23], s21  }
0x17: {  	s4 =	ssub.s32 $0x0, s21;
	[sflag:s23] =	ssyncset.done $0x0  }
0x18: {  	[sflag:s23] =	ssyncadd.s32 s4;
	_ =	sdelay $0x1  }
0x19: {  	s24 =	simm.s32 $0x1B8B  }
0x1a: {  	_ =	swait.ge [sflag:s24], $0x1  }
0x1b: {  	[sflag:s24] =	ssyncset.done $0x0  }
0x1c: {  	s26 =	simm.s32 $0x1B8E;
	s25 =	sld [smem:$0x3FFE];
	[sflag:s24] =	ssyncadd.s32 $0xFFFFFFFF  }
0x1d: {  	s27 =	simm.s32 $execute0_lowered;
	[smem:$0x3FD2] =	sst s26  }
0x1e: {  	s5 =	sshll.u32 s27, $0x1;
	_ =	strace $0x80000049;
	[dreg:$0x1] =	wrdreg $0xFFFFFFFF  }
0x1f: {  	s28 =	simm.s32 $_size_execute0_lowered;
	s3 =	sadd.s32 s3, s5;
	[dreg:$0x0] =	wrdreg $0x0  }
0x20: {  	s5 =	sshll.u32 s28, $0x1;
	[dreg:$0x2] =	wrdreg s3  }
0x21: {  	[dreg:$0x3] =	wrdreg s5  }
0x22: {  	[dreg:$0x4] =	wrdreg $0xC0  }
0x23: {  	_ =	task [dreg:s7], $0x5FFFF  }
0x24: {  	[dreg:$0x1] =	wrdreg $0xFFFFFFFF  }
0x25: {  	[dreg:$0x0] =	wrdreg $0x60  }
0x26: {  	[dreg:$0x2] =	wrdreg s25  }
0x27: {  	[dreg:$0x3] =	wrdreg s2  }
0x28: {  	[dreg:$0x4] =	wrdreg $0x9  }
0x29: {  	_ =	task.clear_ibuf [dreg:s7], $0x5FFFF;
	_ =	strace $0x90000049  }
0x2a: {  	s29 =	simm.s32 $0x9;
	_ =	strace $0x8000004B  }
0x2b: {  	_ =	swait.ge [sflag:s29], $0x1  }
0x2c: {  	[sflag:s29] =	ssyncadd.s32 $0xFFFFFFFF  }
0x2d: {  	_ =	strace $0x9000004B  }
0x2e: {  	_ =	sfence  }
0x2f: {  	s30 =	sld [smem:$0x0];
	_ =	sdelay $0x2  }
0x30: {  	s31 =	sshll.u32 s1, $0xD;
	s1 =	sshrl.u32 s1, $0x2  }
0x31: {  	s3 =	sand.u32 $0x4000, s31;
	s1 =	sadd.s32 s1, s30  }
0x32: {  	s0 =	sor.u32 s3, s0;
	s1 =	sshll.u32 s1, $0x11  }
0x33: {  	s0 =	sor.u32 s1, s0  }
0x34: {  	s0 =	sadd.s32 $0x8F2B, s0  }
0x35: {  	[sflag:s0] =	ssyncadd.remote.s32 $0x1  }
0x36: {  	_ =	sfence.sel $0xFFFF  }
0x37: {  	[dreg:$0x0] =	wrdreg $0xFFFFFFFF;
	(pc) =	sbr.abs _section_cstart, $3  }
0x38: {  	[dreg:$0x1] =	wrdreg $0xFFFFFFFF  }
0x39: {  	_ =	task.clear_ibuf [dreg:s7], $0x2FFFF;
	_ =	strace $0x9FFFFFFF  }
0x3a: {  	(tm) =	ssettm $0x7FFFFFFF  }
0x3b: {  	_ =	shalt  }
tec
execute0_lowered:
.L_overlay_start_1:
0x0: {  	(tag) =	ssettag $0x1  }
0x1: {  	s0 =	srdreg.scid  }
0x2: {  	s1 =	sshll.u32 s0, $0x4  }
0x3: {  	s0 =	stileid.u32;
	s1 =	sand.u32 $0x10, s1  }
0x4: {  	s1 =	sor.u32 s0, s1  }
0x5: {  	s6 =	rddreg [dreg:$0x0];
	s4 =	simm.s32 $0x1;
	s2 =	sshll.u32 s1, $0x7  }
0x6: {  	s7 =	simm.s32 $0x2;
	s12 =	simm.s32 $0x0;
	s1 =	ssub.s32 $0x4000, s2  }
0x7: {  	s8 =	simm.s32 $0x20000;
	s13 =	simm.s32 $0x0;
	s3 =	sand.u32 $0xF80, s1  }
0x8: {  	s9 =	simm.s32 $0x0;
	s5 =	sshrl.u32 s1, $0xC;
	p0 =	sne.s32 s3, $0x0  }
.Ltmp0:
0x9: {  	s1 =	rddreg [dreg:$0x2];
	s4 =	simm.s32 @!p0 $0x0;
	(pc) =	sbr.rel .LBB1_1-.Ltmp0, $4  }
0xa: {  	s11 =	simm.s32 $0x0;
	s3 =	rddreg [dreg:$0x1];
	s5 =	sadd.s32 s4, s5  }
0xb: {  	_ =	strace $0x8000004A;
	s4 =	simm.s32 $0x1;
	s5 =	smul.u32 $0x32, s5  }
0xc: {  	s6 =	sadd.s32 $0xA00, s6;
	s10 =	smov.u32 s2;
	[sflag:s4] =	ssyncpa.u1 $0x0  }
0xd: {  	p0 =	por $0x0, $0x0;
	[sflag:s7] =	ssyncpa.u1 $0x0;
	s7 =	sor.u32 $0x1, s5  }
.LBB1_4:
0xe: {  	s16 =	sshll.u32 s13, $0x3;
	s17 =	sand.u32 $0x78, s13  }
0xf: {  	s30 =	sand.u32 $0x1F800, s13;
	s12 =	sshll.u32 s12, $0x11;
	s16 =	sand.u32 $0x3C00, s16  }
0x10: {  	[tilespmem:s15+$0x810 ss:$0x81] =	vst.msk $0xffff, v2;
	s31 =	sand.u32 $0x7, s13;
	s16 =	sor.u32 s17, s16;
	s17 =	sadd.s32 s3, s30  }
0x11: {  	[tilespmem:s15+$0x1020 ss:$0x81] =	vst.msk $0xffff, v0;
	s13 =	sshll.u32 s31, $0x12;
	s12 =	sadd.s32 s12, s17;
	s16 =	sshrl.u32 s16, $0x3  }
0x12: {  	[tilespmem:s15+$0x0 ss:$0x81] =	vst.msk $0xffff, v1;
	s13 =	sor.u32 $0x400, s13;
	s12 =	sadd.s32 s16, s12  }
0x13: {  	[hbm4b:s12+s13] =	stream.strided.scatter [tilespmem:s14], [sflag:$0x2], $0x2000, s8, s13, $0x20;
	[tilespmem:$0x8080] =	vst v63  }
.LBB1_5:
0x14: {  	s14 =	sadd.s32 $0x1, s9  }
0x15: {  	s12 =	sadd.s32 $0x1000, s10;
	s16 =	smov.u32 s10;
	p2 =	sgt.s32 s14, $0x31  }
0x16: {  	s16 =	smov.u32 @p2 s12  }
0x17: {  	s14 =	simm.s32 @p2 $0x0;
	p2 =	sgt.s32 s16, $0x3FFF  }
0x18: {  	s16 =	smov.u32 @p2 s2;
	p2 =	sne.s32 s11, s7  }
.Ltmp1:
0x19: {  	p1 =	slt.u32 s11, $0x2;
	(pc) =	sbr.rel @!p2 .LBB1_6-.Ltmp1, $4  }
0x1a: {  	s15 =	simm.s32 @!p1 $0x2  }
0x1b: {  	s13 =	smov.u32 s10;
	p0 =	por !p0, !p0;
	_ =	swait.ge @!p1 [sflag:s15], $0x2000  }
0x1c: {  	s12 =	smov.u32 s9;
	[sflag:s15] =	ssyncset.done @!p1 $0x0;
	s9 =	smov.u32 s14  }
0x1d: {  	s11 =	sadd.s32 $0x1, s11;
	[sflag:s15] =	ssyncadd.s32 @!p1 $0xFFFFE000;
	s10 =	smov.u32 s16  }
.LBB1_1:
0x1e: {  	p1 =	sge.u32 s11, s5  }
0x1f: {  	s14 =	sand.u32 @!p1 $0x1FFFFFF, s9  }
0x20: {  	s15 =	smulhi.u32 @!p1 $0x4924925, s14;
	_ =	sdelay $0x1  }
0x21: {  	s15 =	smul.u32 @!p1 $0x38, s15  }
0x22: {  	s16 =	sxor.u32 @!p1 $0xFFFFFFFF, s11;
	s17 =	smul.u32 @!p1 $0x380, s10  }
0x23: {  	s31 =	sadd.s32 $0xFFFFFFFF, s11;
	s16 =	sshll.u32 @!p1 s16, $0xD;
	s14 =	ssub.s32 @!p1 s14, s15  }
0x24: {  	s15 =	sand.u32 @!p1 $0x2000, s16;
	s16 =	sadd.s32 @!p1 s6, s17;
	s14 =	sshll.u32 @!p1 s14, $0x4  }
0x25: {  	s17 =	simm.s32 @!p1 $0x1C00;
	s14 =	sadd.s32 @!p1 s14, s16;
	s16 =	simm.s32 @!p1 $0x40  }
0x26: {  	[tilespmem:s15], [sflag:$0x1] =	stream.strided.gather @!p1 [hbm4b:s14+s16], $0x2000, s17, s16, $0x38;
	[tilespmem:$0x8080] =	vst v63  }
0x27: {  	p1 =	sge.u32 s31, s5  }
.Ltmp2:
0x28: {  	_ = 	snop;
	(pc) =	sbr.rel @p1 .LBB1_5-.Ltmp2, $1  }
0x29: {  	_ =	sdelay $0x3  }
0x2a: {  	s14 =	simm.s32 $0x1  }
0x2b: {  	_ =	swait.ge [sflag:s4], $0x2000;
	s14 =	simm.s32 @!p0 $0x0  }
0x2c: {  	[sflag:s4] =	ssyncset.done $0x0;
	s15 =	sshll.u32 s14, $0xD  }
0x2d: {  	[sflag:s4] =	ssyncadd.s32 $0xFFFFE000;
	s18 =	sor.u32 $0x20, s15  }
0x2e: {  	s14 =	smul.u32 $0x8100, s14;
	v3 =	vld [tilespmem:s18+$0x10]  }
0x2f: {  	s30 =	sand.u32 $0x1, s11;
	v2 =	vld [tilespmem:s18+$0xFFFFFFF0]  }
0x30: {  	s15 =	smul.u32 $0x8100, s30;
	s14 =	sshrl.u32 s14, $0x2;
	v0 =	vld [tilespmem:s18+$0x0]  }
0x31: {  	v1 =	vld [tilespmem:s18+$0xFFFFFFE0];
	s16 =	sor.u32 $0x4000, s14  }
0x32: {  	s31 =	sshrl.u32 s15, $0x2;
	s15 =	sadd.s32 $0x0, s16  }
0x33: {  	s17 =	simm.s32 $0x4;
	s18 =	sadd.s32 $0x40, s18;
	s14 =	sor.u32 $0x4000, s31;
	[tilespmem:s15+$0x1830 ss:$0x81] =	vst.msk $0xffff, v3  }
.LBB1_3:
0x34: {  	v3 =	vld [tilespmem:s18+$0x10];
	p1 =	sne.s32 s17, $0x1FC;
	[tilespmem:s15+$0x810 ss:$0x81] =	vst.msk $0xffff, v2;
	s19 =	smov.u32 s17;
	s17 =	sadd.s32 $0x4, s17  }
.Ltmp3:
0x35: {  	v2 =	vld [tilespmem:s18+$0xFFFFFFF0];
	[tilespmem:s15+$0x1020 ss:$0x81] =	vst.msk $0xffff, v0;
	(pc) =	sbr.rel @p1 .LBB1_3-.Ltmp3, $4  }
0x36: {  	v0 =	vld [tilespmem:s18+$0x0];
	[tilespmem:s15+$0x0 ss:$0x81] =	vst.msk $0xffff, v1  }
0x37: {  	s15 =	sshra.s32 s19, $0x2;
	v1 =	vld [tilespmem:s18+$0xFFFFFFE0]  }
0x38: {  	s15 =	sadd.s32 s15, s16  }
0x39: {  	s18 =	sadd.s32 $0x40, s18;
	[tilespmem:s15+$0x1830 ss:$0x81] =	vst.msk $0xffff, v3  }
.Ltmp4:
0x3a: {  	_ = 	snop;
	(pc) =	sbr.rel .LBB1_4-.Ltmp4, $1  }
0x3b: {  	_ =	sdelay $0x3  }
.LBB1_6:
0x3c: {  	_ =	sfence.sel $0x180000  }
0x3d: {  	s2 =	simm.s32 $0x1;
	[bflag:$0x0] =	sbarrier.arrive $0xFFFF  }
0x3e: {  	s31 =	simm.s32 $0x2;
	[sflag:s2] =	ssyncpa.u1 $0x1  }
0x3f: {  	[sflag:s31] =	ssyncpa.u1 $0x1  }
0x40: {  	p0 =	sne.s32 s0, $0x0;
	_ =	strace $0x9000004A  }
0x41: {  	s0 =	sadd.s32 @!p0 $0x100000, s1;
	[bflag:$0x2] =	sbarrier.arrive $0xFFFF  }
0x42: {  	[sflag:s0] =	ssyncadd.tile.s32 @!p0 $0x1;
	_ =	shalt  }
.Lfunc_end1:
_tile_overlayer_lowered:
.L_overlay_start_2:
0x43: {  	(tag) =	ssettag $0x2  }
0x44: {  	s0 =	rddreg [dreg:$0x0];
	s2 =	stileid.u32  }
0x45: {  	s1 =	rddreg [dreg:$0x1];
	p0 =	sne.s32 s2, $0x0  }
0x46: {  	s3 =	rddreg [dreg:$0x2];
	[bflag:$0x3] =	sbarrier.arrive $0xFFFF;
	s2 =	simm.s32 @!p0 $0x1C01  }
0x47: {  	[timem:s3], [sflag:s2] =	dma.local @!p0 [hbm:s0], s1  }
0x48: {  	s0 =	simm.s32 @!p0 $0x1  }
0x49: {  	_ =	swait.ge @!p0 [sflag:s0], s1  }
0x4a: {  	s1 =	ssub.s32 @!p0 $0x0, s1;
	[sflag:s0] =	ssyncset.done @!p0 $0x0  }
0x4b: {  	[sflag:s0] =	ssyncadd.s32 @!p0 s1  }
0x4c: {  	[bflag:$0x3] =	sbarrier.arrive $0xFFFF  }
0x4d: {  	_ =	shalt  }

</sc_bundles>
